<compile_context>
chip_gen: v7x
topology: tpu7x:2x2x1
jax: 0.10.2.dev20260603
libtpu: 0.0.44.dev20260713+nightly
codegen_flags: <defaults>
</compile_context>

<pallas_src>
import functools

import jax
import jax.numpy as jnp
from jax import lax
from jax.experimental import pallas as pl
from jax.experimental.pallas import tpu as pltpu
from jax.experimental.pallas import tpu_sc as plsc

NC, NS = 2, 16
NW = NC * NS
WIN = 80


def _sc_mesh():
    return plsc.VectorSubcoreMesh(core_axis_name="c", subcore_axis_name="s",
                                  num_cores=NC, num_subcores=NS)

def _make_deg(E, n_pad):
    per_w = E // NW
    n_win = per_w // WIN
    rps = n_pad // NS

    @functools.partial(
        pl.kernel,
        out_type=jax.ShapeDtypeStruct((NC, n_pad), jnp.float32),
        mesh=_sc_mesh(),
        scratch_types=[
            [pltpu.VMEM((WIN,), jnp.int32) for _ in range(4)],
            pltpu.VMEM((WIN,), jnp.float32),
            pltpu.VMEM((rps,), jnp.float32),
            pltpu.VMEM_SHARED((n_pad,), jnp.float32),
            [pltpu.SemaphoreType.DMA for _ in range(4)],
            [pltpu.SemaphoreType.DMA for _ in range(2)],
        ],
    )
    def deg(dst_hbm, out_hbm, di, ones_v, z_v, deg_sh, semi, semd):
        cid = lax.axis_index("c")
        sid = lax.axis_index("s")
        wid = sid * NC + cid
        base0 = wid * per_w

        @pl.loop(0, WIN, step=16)
        def _(i):
            ones_v[pl.ds(i, 16)] = jnp.ones((16,), jnp.float32)

        @pl.loop(0, rps, step=16)
        def _(i):
            z_v[pl.ds(i, 16)] = jnp.zeros((16,), jnp.float32)

        pltpu.sync_copy(z_v, deg_sh.at[pl.ds(sid * rps, rps)])
        plsc.subcore_barrier()

        def issue_idx(t, q):
            pltpu.async_copy(dst_hbm.at[pl.ds(base0 + t * WIN, WIN)], di[q],
                             semi[q])

        def window(t, q, p):
            @pl.when(t >= 2)
            def _():
                pltpu.make_async_copy(ones_v, deg_sh.at[di[q]],
                                      semd[p]).wait()
            @pl.when(t + 2 < n_win)
            def _():
                issue_idx(t + 2, (q + 2) % 4)
            pltpu.make_async_copy(dst_hbm.at[pl.ds(base0 + t * WIN, WIN)],
                                  di[q], semi[q]).wait()
            pltpu.async_copy(ones_v, deg_sh.at[di[q]], semd[p], add=True)

        issue_idx(0, 0)
        issue_idx(1, 1)

        @pl.loop(0, n_win - 1, step=4)
        def _(t):
            window(t, 0, 0)
            window(t + 1, 1, 1)
            window(t + 2, 2, 0)
            window(t + 3, 3, 1)

        window(n_win - 1, 0, 0)
        pltpu.make_async_copy(ones_v, deg_sh.at[di[0]], semd[0]).wait()
        pltpu.make_async_copy(ones_v, deg_sh.at[di[1]], semd[1]).wait()

        plsc.subcore_barrier()
        pltpu.sync_copy(deg_sh.at[pl.ds(sid * rps, rps)],
                        out_hbm.at[cid, pl.ds(sid * rps, rps)])

    return deg


def _make_agg(E, n_pad, hid, n_rows):
    per_w = E // NW
    n_win = per_w // WIN
    rps = n_pad // NS

    n_loop = ((n_win + 7) // 8) * 8
    n_fs = n_rows // rps
    rem = n_rows - n_fs * rps

    @functools.partial(
        pl.kernel,
        out_type=jax.ShapeDtypeStruct((NC, n_pad, hid), jnp.float32),
        mesh=_sc_mesh(),
        scratch_types=[
            [pltpu.VMEM((WIN,), jnp.int32) for _ in range(8)],
            [pltpu.VMEM((WIN,), jnp.int32) for _ in range(8)],
            [pltpu.VMEM((WIN, hid), jnp.float32) for _ in range(4)],
            pltpu.VMEM_SHARED((n_pad, hid), jnp.float32),
            [pltpu.SemaphoreType.DMA for _ in range(8)],
            [pltpu.SemaphoreType.DMA for _ in range(4)],
            [pltpu.SemaphoreType.DMA for _ in range(4)],
        ],
    )
    def agg(m_hbm, src_hbm, dst_hbm, out_hbm, si, di, rows, acc_sh, semi,
            semg, sems):
        cid = lax.axis_index("c")
        sid = lax.axis_index("s")
        wid = sid * NC + cid
        base0 = wid * per_w

        @pl.when(cid == 0)
        def _():
            @pl.when(sid < n_fs)
            def _():
                pltpu.sync_copy(m_hbm.at[pl.ds(sid * rps, rps)],
                                acc_sh.at[pl.ds(sid * rps, rps)])
            if rem:
                @pl.when(sid == n_fs)
                def _():
                    pltpu.sync_copy(m_hbm.at[pl.ds(n_fs * rps, rem)],
                                    acc_sh.at[pl.ds(n_fs * rps, rem)])

        @pl.when(cid == 1)
        def _():
            @pl.loop(0, WIN)
            def _(r):
                @pl.loop(0, hid, step=16)
                def _(k):
                    rows[0][r, pl.ds(k, 16)] = jnp.zeros((16,), jnp.float32)

            @pl.loop(0, rps // WIN)
            def _(t):
                pltpu.sync_copy(rows[0],
                                acc_sh.at[pl.ds(sid * rps + t * WIN, WIN)])

        plsc.subcore_barrier()

        def issue_idx(t, q):
            sl = pl.ds(base0 + t * WIN, WIN)
            pltpu.async_copy(src_hbm.at[sl], si[q], semi[q])
            pltpu.async_copy(dst_hbm.at[sl], di[q], semi[q])

        def wait_idx(t, q):
            sl = pl.ds(base0 + t * WIN, WIN)
            pltpu.make_async_copy(src_hbm.at[sl], si[q], semi[q]).wait()
            pltpu.make_async_copy(dst_hbm.at[sl], di[q], semi[q]).wait()

        def drain_scatter(k):
            pltpu.make_async_copy(rows[k % 4], acc_sh.at[di[k % 8]],
                                  sems[k % 4]).wait()

        def stage(tb, k):
            t = tb + k

            @pl.when(t >= 4)
            def _():
                drain_scatter(k - 4)

            @pl.when(t + 4 < n_win)
            def _():
                issue_idx(t + 4, (k + 4) % 8)

            @pl.when(t < n_win)
            def _():
                wait_idx(t, k)
                pltpu.async_copy(m_hbm.at[si[k]], rows[k % 4], semg[k % 4])

            @pl.when(jnp.logical_and(t >= 2, t - 2 < n_win))
            def _():
                pltpu.make_async_copy(m_hbm.at[si[(k - 2) % 8]],
                                      rows[(k - 2) % 4],
                                      semg[(k - 2) % 4]).wait()
                pltpu.async_copy(rows[(k - 2) % 4],
                                 acc_sh.at[di[(k - 2) % 8]],
                                 sems[(k - 2) % 4], add=True)

        for t0 in range(4):
            issue_idx(t0, t0)

        @pl.loop(0, n_loop, step=8)
        def _(tb):
            for k in range(8):
                stage(tb, k)

        drain_scatter(n_win - 1)

        plsc.subcore_barrier()
        pltpu.sync_copy(acc_sh.at[pl.ds(sid * rps, rps)],
                        out_hbm.at[cid, pl.ds(sid * rps, rps)])

    return agg


def _split_body(e_ref, s_ref, d_ref):
    v = e_ref[...]
    s_ref[...] = v[0]
    d_ref[...] = v[1]


def _xws_body(x_ref, w_ref, cnt_ref, m_ref, s_ref):
    cb = cnt_ref[...]
    s_row = lax.rsqrt(cb[0:1] + cb[1:2] + 1.0)
    s_col = jnp.transpose(s_row, (1, 0))
    s_ref[...] = s_col
    xw = jnp.dot(x_ref[...], w_ref[...],
                 preferred_element_type=jnp.float32)
    m_ref[...] = xw * s_col


def _gru_body(acc_ref, s_ref, bgcn_ref, wih_ref, bih_ref, bhh_ref,
              wfc_ref, bfc_ref, o_ref, *, hid):
    acc2 = acc_ref[...]
    g = s_ref[...] * (acc2[0] + acc2[1]) + bgcn_ref[...]
    gi = jnp.dot(g.astype(jnp.bfloat16), wih_ref[...],
                 preferred_element_type=jnp.float32)
    gi = gi + bih_ref[...]
    bhh = bhh_ref[...]
    r = jax.nn.sigmoid(gi[:, :hid] + bhh[:, :hid])
    z = jax.nn.sigmoid(gi[:, hid:2 * hid] + bhh[:, hid:2 * hid])
    nn_ = jnp.tanh(gi[:, 2 * hid:] + r * bhh[:, 2 * hid:])
    h = (1.0 - z) * nn_
    o_ref[...] = jnp.dot(h.astype(jnp.bfloat16), wfc_ref[...],
                         preferred_element_type=jnp.float32) + bfc_ref[...]


def kernel(x_seq, edge_idx, W_gcn, b_gcn, W_ih, b_ih, W_hh, b_hh, W_fc, b_fc):
    n, t_in = x_seq.shape
    hid = W_gcn.shape[1]
    e = edge_idx.shape[1]
    n_pad = ((n + NS * WIN - 1) // (NS * WIN)) * (NS * WIN)
    blk = 1000
    grid = (n // blk,)

    blk_e = e
    src, dst = pl.pallas_call(
        _split_body,
        grid=(e // blk_e,),
        in_specs=[pl.BlockSpec((2, blk_e), lambda i: (0, i))],
        out_specs=[pl.BlockSpec((blk_e,), lambda i: (i,)),
                   pl.BlockSpec((blk_e,), lambda i: (i,))],
        out_shape=[jax.ShapeDtypeStruct((e,), jnp.int32),
                   jax.ShapeDtypeStruct((e,), jnp.int32)],
    )(edge_idx)

    cnt = _make_deg(e, n_pad)(dst)

    blk_x = 2560
    m, s_col = pl.pallas_call(
        _xws_body,
        grid=(n_pad // blk_x,),
        in_specs=[pl.BlockSpec((blk_x, t_in), lambda i: (i, 0)),
                  pl.BlockSpec((t_in, hid), lambda i: (0, 0)),
                  pl.BlockSpec((NC, blk_x), lambda i: (0, i))],
        out_specs=[pl.BlockSpec((blk_x, hid), lambda i: (i, 0)),
                   pl.BlockSpec((blk_x, 1), lambda i: (i, 0))],
        out_shape=[jax.ShapeDtypeStruct((n, hid), jnp.float32),
                   jax.ShapeDtypeStruct((n, 1), jnp.float32)],
    )(x_seq, W_gcn, cnt)

    acc = _make_agg(e, n_pad, hid, n)(m, src, dst)

    blk_g = 5000
    out2 = pl.pallas_call(
        functools.partial(_gru_body, hid=hid),
        grid=(n // blk_g,),
        in_specs=[
            pl.BlockSpec((NC, blk_g, hid), lambda i: (0, i, 0)),
            pl.BlockSpec((blk_g, 1), lambda i: (i, 0)),
            pl.BlockSpec((1, hid), lambda i: (0, 0)),
            pl.BlockSpec((hid, 3 * hid), lambda i: (0, 0)),
            pl.BlockSpec((1, 3 * hid), lambda i: (0, 0)),
            pl.BlockSpec((1, 3 * hid), lambda i: (0, 0)),
            pl.BlockSpec((hid, 1), lambda i: (0, 0)),
            pl.BlockSpec((1, 1), lambda i: (0, 0)),
        ],
        out_specs=pl.BlockSpec((blk_g, 1), lambda i: (i, 0)),
        out_shape=jax.ShapeDtypeStruct((n, 1), jnp.float32),
    )(acc, s_col, b_gcn[None, :], W_ih.T.astype(jnp.bfloat16),
      b_ih[None, :], b_hh[None, :], W_fc.T.astype(jnp.bfloat16),
      b_fc[None, :])

    return out2[:, 0]

# --- scband reference (transcript-rebuilt; emitter-appended) ---
"""Pipeline reference for scband-gcn-gru-3959959847414 (READ-ONLY COPY).

The authoritative reference and input builder live on the scoring server;
editing this copy changes nothing except your own understanding.
"""

import jax, jax.numpy as jnp
import numpy as np

N = 10000
E = 320000
T_IN = 128
HID = 128


def setup_inputs(seed: int = 0) -> dict:
    key = jax.random.key(seed)
    ks = jax.random.split(key, 10)
    x_seq = jax.random.normal(ks[0], (N, T_IN), dtype=jnp.float32)
    edge_idx = jax.random.randint(ks[1], (2, E), 0, N, dtype=jnp.int32)
    W_gcn = jax.random.normal(ks[2], (T_IN, HID), dtype=jnp.float32) * 0.05
    b_gcn = jnp.zeros((HID,), dtype=jnp.float32)
    W_ih = jax.random.normal(ks[3], (3 * HID, HID), dtype=jnp.float32) * 0.05
    b_ih = jnp.zeros((3 * HID,), dtype=jnp.float32)
    W_hh = jax.random.normal(ks[4], (3 * HID, HID), dtype=jnp.float32) * 0.05
    b_hh = jnp.zeros((3 * HID,), dtype=jnp.float32)
    W_fc = jax.random.normal(ks[5], (1, HID), dtype=jnp.float32) * 0.05
    b_fc = jnp.zeros((1,), dtype=jnp.float32)
    return {"x_seq": x_seq, "edge_idx": edge_idx, "W_gcn": W_gcn, "b_gcn": b_gcn,
            "W_ih": W_ih, "b_ih": b_ih, "W_hh": W_hh, "b_hh": b_hh,
            "W_fc": W_fc, "b_fc": b_fc}


def reference(x_seq, edge_idx, W_gcn, b_gcn, W_ih, b_ih, W_hh, b_hh, W_fc, b_fc):
    n = x_seq.shape[0]
    # --- GCNConv (PyG-style): add self loops, symmetric normalization ---
    loop = jnp.arange(n, dtype=edge_idx.dtype)
    src = jnp.concatenate([edge_idx[0], loop])
    dst = jnp.concatenate([edge_idx[1], loop])
    ew = jnp.ones(src.shape[0], dtype=jnp.float32)
    deg = jax.ops.segment_sum(ew, dst, num_segments=n)
    deg_inv_sqrt = jnp.where(deg > 0, 1.0 / jnp.sqrt(deg), 0.0)
    norm = deg_inv_sqrt[src] * deg_inv_sqrt[dst]
    xw = x_seq @ W_gcn
    msgs = jnp.take(xw, src, axis=0) * norm[:, None]
    g = jax.ops.segment_sum(msgs, dst, num_segments=n) + b_gcn
    # --- GRU, single layer, seq_len=1, h0=0 (PyTorch gate math) ---
    h = jnp.zeros_like(g)
    gi = g @ W_ih.T + b_ih
    gh = h @ W_hh.T + b_hh
    i_r, i_z, i_n = jnp.split(gi, 3, axis=-1)
    h_r, h_z, h_n = jnp.split(gh, 3, axis=-1)
    r = jax.nn.sigmoid(i_r + h_r)
    z = jax.nn.sigmoid(i_z + h_z)
    nn_ = jnp.tanh(i_n + r * h_n)
    h_new = (1.0 - z) * nn_ + z * h
    # --- fc + squeeze ---
    out = h_new @ W_fc.T + b_fc
    return out.squeeze(-1)

if __name__ == "__main__":
    import jax
    _d = setup_inputs()
    print(jax.jit(kernel)(*tuple(_d.values())))

</pallas_src>

<mosaic_0001>
#map = affine_map<(d0, d1) -> (0, 0)>
#map1 = affine_map<(d0, d1) -> (0)>
#map2 = affine_map<(d0, d1) -> (0, 0, 0)>
module attributes {stable_mosaic.version = 14 : i64} {
  func.func @agg(%arg0: i32, %arg1: i32, %arg2: memref<10000x128xf32, #tpu.memory_space<hbm>>, %arg3: memref<320000xi32, #tpu.memory_space<hbm>>, %arg4: memref<320000xi32, #tpu.memory_space<hbm>>, %arg5: memref<2x10240x128xf32, #tpu.memory_space<hbm>>, %arg6: memref<80xi32, #tpu.memory_space<vmem>>, %arg7: memref<80xi32, #tpu.memory_space<vmem>>, %arg8: memref<80xi32, #tpu.memory_space<vmem>>, %arg9: memref<80xi32, #tpu.memory_space<vmem>>, %arg10: memref<80xi32, #tpu.memory_space<vmem>>, %arg11: memref<80xi32, #tpu.memory_space<vmem>>, %arg12: memref<80xi32, #tpu.memory_space<vmem>>, %arg13: memref<80xi32, #tpu.memory_space<vmem>>, %arg14: memref<80xi32, #tpu.memory_space<vmem>>, %arg15: memref<80xi32, #tpu.memory_space<vmem>>, %arg16: memref<80xi32, #tpu.memory_space<vmem>>, %arg17: memref<80xi32, #tpu.memory_space<vmem>>, %arg18: memref<80xi32, #tpu.memory_space<vmem>>, %arg19: memref<80xi32, #tpu.memory_space<vmem>>, %arg20: memref<80xi32, #tpu.memory_space<vmem>>, %arg21: memref<80xi32, #tpu.memory_space<vmem>>, %arg22: memref<80x128xf32, #tpu.memory_space<vmem>>, %arg23: memref<80x128xf32, #tpu.memory_space<vmem>>, %arg24: memref<80x128xf32, #tpu.memory_space<vmem>>, %arg25: memref<80x128xf32, #tpu.memory_space<vmem>>, %arg26: memref<10240x128xf32, #tpu.memory_space<vmem_shared>>, %arg27: memref<!tpu.dma_semaphore, #tpu.memory_space<semaphore_mem>>, %arg28: memref<!tpu.dma_semaphore, #tpu.memory_space<semaphore_mem>>, %arg29: memref<!tpu.dma_semaphore, #tpu.memory_space<semaphore_mem>>, %arg30: memref<!tpu.dma_semaphore, #tpu.memory_space<semaphore_mem>>, %arg31: memref<!tpu.dma_semaphore, #tpu.memory_space<semaphore_mem>>, %arg32: memref<!tpu.dma_semaphore, #tpu.memory_space<semaphore_mem>>, %arg33: memref<!tpu.dma_semaphore, #tpu.memory_space<semaphore_mem>>, %arg34: memref<!tpu.dma_semaphore, #tpu.memory_space<semaphore_mem>>, %arg35: memref<!tpu.dma_semaphore, #tpu.memory_space<semaphore_mem>>, %arg36: memref<!tpu.dma_semaphore, #tpu.memory_space<semaphore_mem>>, %arg37: memref<!tpu.dma_semaphore, #tpu.memory_space<semaphore_mem>>, %arg38: memref<!tpu.dma_semaphore, #tpu.memory_space<semaphore_mem>>, %arg39: memref<!tpu.dma_semaphore, #tpu.memory_space<semaphore_mem>>, %arg40: memref<!tpu.dma_semaphore, #tpu.memory_space<semaphore_mem>>, %arg41: memref<!tpu.dma_semaphore, #tpu.memory_space<semaphore_mem>>, %arg42: memref<!tpu.dma_semaphore, #tpu.memory_space<semaphore_mem>>) attributes {dimension_semantics = [#tpu.dimension_semantics<core_parallel>, #tpu.dimension_semantics<subcore_parallel>], iteration_bounds = array<i64: 2, 16>, scalar_prefetch = 0 : i64, scratch_operands = 37 : i64, tpu.core_type = #tpu.core_type<sc_vector_subcore>, window_params = [{transform_indices = #map}, {transform_indices = #map1}, {transform_indices = #map1}, {transform_indices = #map2}]} {
    %mul3A = arith.constant 2 : i32
    %mul3A_0 = arith.muli %arg1, %mul3A : i32
    %add3A = arith.addi %mul3A_0, %arg0 : i32
    %mul3A_1 = arith.constant 10000 : i32
    %mul3A_2 = arith.muli %add3A, %mul3A_1 : i32
    %eq3A = arith.constant 0 : i32
    %eq3A_3 = arith.cmpi eq, %arg0, %eq3A : i32
    %convert_element_type3A = arith.extui %eq3A_3 : i1 to i32
    %cond3A = arith.constant 0 : i32
    %cond3A_4 = arith.cmpi ne, %convert_element_type3A, %cond3A : i32
    scf.if %cond3A_4 {
      %lt3A = arith.constant 15 : i32
      %lt3A_44 = arith.cmpi slt, %arg1, %lt3A : i32
      %convert_element_type3A_45 = arith.extui %lt3A_44 : i1 to i32
      %cond3A_46 = arith.constant 0 : i32
      %cond3A_47 = arith.cmpi ne, %convert_element_type3A_45, %cond3A_46 : i32
      scf.if %cond3A_47 {
        %mul3A_53 = arith.constant 640 : i32
        %mul3A_54 = arith.muli %arg1, %mul3A_53 : i32
        %mul3A_55 = arith.constant 640 : i32
        %mul3A_56 = arith.muli %arg1, %mul3A_55 : i32
        "tpu.region"() ({
          %run_scoped3A = tpu.sem_alloc : memref<!tpu.dma_semaphore, #tpu.memory_space<semaphore_mem>>
          %dma_start3A_57 = arith.constant 0 : i32
          %dma_start3A_58 = tpu.memref_slice %arg26[%mul3A_56, %dma_start3A_57] : memref<10240x128xf32, #tpu.memory_space<vmem_shared>> -> memref<640x128xf32, #tpu.memory_space<vmem_shared>>
          %dma_start3A_59 = arith.constant 0 : i32
          %dma_start3A_60 = tpu.memref_slice %arg2[%mul3A_54, %dma_start3A_59] : memref<10000x128xf32, #tpu.memory_space<hbm>> -> memref<640x128xf32, #tpu.memory_space<hbm>>
          tpu.enqueue_dma source(%dma_start3A_60 : memref<640x128xf32, #tpu.memory_space<hbm>>) target(%dma_start3A_58 : memref<640x128xf32, #tpu.memory_space<vmem_shared>>) target_semaphore(%run_scoped3A : memref<!tpu.dma_semaphore, #tpu.memory_space<semaphore_mem>>)
          %dma_wait3A_61 = arith.constant 0 : i32
          %dma_wait3A_62 = tpu.memref_slice %arg26[%mul3A_56, %dma_wait3A_61] : memref<10240x128xf32, #tpu.memory_space<vmem_shared>> -> memref<640x128xf32, #tpu.memory_space<vmem_shared>>
          %dma_wait3A_63 = arith.constant 0 : i32
          %dma_wait3A_64 = tpu.memref_slice %arg2[%mul3A_54, %dma_wait3A_63] : memref<10000x128xf32, #tpu.memory_space<hbm>> -> memref<640x128xf32, #tpu.memory_space<hbm>>
          tpu.wait_dma2 semaphore(%run_scoped3A : memref<!tpu.dma_semaphore, #tpu.memory_space<semaphore_mem>>) src(%dma_wait3A_64 : memref<640x128xf32, #tpu.memory_space<hbm>>) dst(%dma_wait3A_62 : memref<640x128xf32, #tpu.memory_space<vmem_shared>>)
          tpu.yield
        }) : () -> ()
      } else {
      }
      %eq3A_48 = arith.constant 15 : i32
      %eq3A_49 = arith.cmpi eq, %arg1, %eq3A_48 : i32
      %convert_element_type3A_50 = arith.extui %eq3A_49 : i1 to i32
      %cond3A_51 = arith.constant 0 : i32
      %cond3A_52 = arith.cmpi ne, %convert_element_type3A_50, %cond3A_51 : i32
      scf.if %cond3A_52 {
        "tpu.region"() ({
          %run_scoped3A = tpu.sem_alloc : memref<!tpu.dma_semaphore, #tpu.memory_space<semaphore_mem>>
          %dma_start3A_53 = arith.constant 9600 : i32
          %dma_start3A_54 = arith.constant 0 : i32
          %dma_start3A_55 = tpu.memref_slice %arg26[%dma_start3A_53, %dma_start3A_54] : memref<10240x128xf32, #tpu.memory_space<vmem_shared>> -> memref<400x128xf32, #tpu.memory_space<vmem_shared>>
          %dma_start3A_56 = arith.constant 9600 : i32
          %dma_start3A_57 = arith.constant 0 : i32
          %dma_start3A_58 = tpu.memref_slice %arg2[%dma_start3A_56, %dma_start3A_57] : memref<10000x128xf32, #tpu.memory_space<hbm>> -> memref<400x128xf32, #tpu.memory_space<hbm>>
          tpu.enqueue_dma source(%dma_start3A_58 : memref<400x128xf32, #tpu.memory_space<hbm>>) target(%dma_start3A_55 : memref<400x128xf32, #tpu.memory_space<vmem_shared>>) target_semaphore(%run_scoped3A : memref<!tpu.dma_semaphore, #tpu.memory_space<semaphore_mem>>)
          %dma_wait3A_59 = arith.constant 9600 : i32
          %dma_wait3A_60 = arith.constant 0 : i32
          %dma_wait3A_61 = tpu.memref_slice %arg26[%dma_wait3A_59, %dma_wait3A_60] : memref<10240x128xf32, #tpu.memory_space<vmem_shared>> -> memref<400x128xf32, #tpu.memory_space<vmem_shared>>
          %dma_wait3A_62 = arith.constant 9600 : i32
          %dma_wait3A_63 = arith.constant 0 : i32
          %dma_wait3A_64 = tpu.memref_slice %arg2[%dma_wait3A_62, %dma_wait3A_63] : memref<10000x128xf32, #tpu.memory_space<hbm>> -> memref<400x128xf32, #tpu.memory_space<hbm>>
          tpu.wait_dma2 semaphore(%run_scoped3A : memref<!tpu.dma_semaphore, #tpu.memory_space<semaphore_mem>>) src(%dma_wait3A_64 : memref<400x128xf32, #tpu.memory_space<hbm>>) dst(%dma_wait3A_61 : memref<400x128xf32, #tpu.memory_space<vmem_shared>>)
          tpu.yield
        }) : () -> ()
      } else {
      }
    } else {
    }
    %eq3A_5 = arith.constant 1 : i32
    %eq3A_6 = arith.cmpi eq, %arg0, %eq3A_5 : i32
    %convert_element_type3A_7 = arith.extui %eq3A_6 : i1 to i32
    %cond3A_8 = arith.constant 0 : i32
    %cond3A_9 = arith.cmpi ne, %convert_element_type3A_7, %cond3A_8 : i32
    scf.if %cond3A_9 {
      %scan3A_44 = arith.constant 0 : i32
      %scan3A_45 = arith.constant 80 : i32
      %scan3A_46 = arith.addi %scan3A_44, %scan3A_45 : i32
      %scan3A_47 = arith.constant 1 : i32
      scf.for %scan3A_54 = %scan3A_44 to %scan3A_46 step %scan3A_47  : i32 {
        %mul3A_55 = arith.constant 1 : i32
        %mul3A_56 = arith.muli %scan3A_54, %mul3A_55 : i32
        %add3A_57 = arith.constant 0 : i32
        %add3A_58 = arith.addi %add3A_57, %mul3A_56 : i32
        %scan3A_59 = arith.constant 0 : i32
        %scan3A_60 = arith.constant 8 : i32
        %scan3A_61 = arith.addi %scan3A_59, %scan3A_60 : i32
        %scan3A_62 = arith.constant 1 : i32
        scf.for %scan3A_64 = %scan3A_59 to %scan3A_61 step %scan3A_62  : i32 {
          %mul3A_65 = arith.constant 16 : i32
          %mul3A_66 = arith.muli %scan3A_64, %mul3A_65 : i32
          %add3A_67 = arith.constant 0 : i32
          %add3A_68 = arith.addi %add3A_67, %mul3A_66 : i32
          %broadcast_in_dim3A = arith.constant 0.000000e+00 : f32
          %broadcast_in_dim3A_69 = vector.broadcast %broadcast_in_dim3A : f32 to vector<16xf32>
          %swap3A = arith.index_cast %add3A_58 : i32 to index
          %swap3A_70 = arith.index_cast %add3A_68 : i32 to index
          %swap3A_71 = tpu.vector_load %arg22[%swap3A, %swap3A_70] {strides = array<i32>} : memref<80x128xf32, #tpu.memory_space<vmem>>, vector<1x16xf32>,
          %swap3A_72 = vector.shape_cast %swap3A_71 : vector<1x16xf32> to vector<16xf32>
          %swap3A_73 = vector.shape_cast %broadcast_in_dim3A_69 : vector<16xf32> to vector<1x16xf32>
          tpu.vector_store %arg22[%swap3A, %swap3A_70], %swap3A_73 {strides = array<i32>} : memref<80x128xf32, #tpu.memory_space<vmem>>, vector<1x16xf32>,
        }
        %scan3A_63 = arith.constant 8 : i32
      }
      %scan3A_48 = arith.constant 80 : i32
      %scan3A_49 = arith.constant 0 : i32
      %scan3A_50 = arith.constant 8 : i32
      %scan3A_51 = arith.addi %scan3A_49, %scan3A_50 : i32
      %scan3A_52 = arith.constant 1 : i32
      scf.for %scan3A_54 = %scan3A_49 to %scan3A_51 step %scan3A_52  : i32 {
        %mul3A_55 = arith.constant 1 : i32
        %mul3A_56 = arith.muli %scan3A_54, %mul3A_55 : i32
        %add3A_57 = arith.constant 0 : i32
        %add3A_58 = arith.addi %add3A_57, %mul3A_56 : i32
        %mul3A_59 = arith.constant 640 : i32
        %mul3A_60 = arith.muli %arg1, %mul3A_59 : i32
        %mul3A_61 = arith.constant 80 : i32
        %mul3A_62 = arith.muli %add3A_58, %mul3A_61 : i32
        %add3A_63 = arith.addi %mul3A_60, %mul3A_62 : i32
        "tpu.region"() ({
          %run_scoped3A = tpu.sem_alloc : memref<!tpu.dma_semaphore, #tpu.memory_space<semaphore_mem>>
          %dma_start3A_64 = arith.constant 0 : i32
          %dma_start3A_65 = tpu.memref_slice %arg26[%add3A_63, %dma_start3A_64] : memref<10240x128xf32, #tpu.memory_space<vmem_shared>> -> memref<80x128xf32, #tpu.memory_space<vmem_shared>>
          %dma_start3A_66 = arith.constant 0 : i32
          %dma_start3A_67 = tpu.memref_slice %arg26[%add3A_63, %dma_start3A_66] : memref<10240x128xf32, #tpu.memory_space<vmem_shared>> -> memref<80x128xf32, #tpu.memory_space<vmem_shared>>
          tpu.enqueue_dma source(%arg22 : memref<80x128xf32, #tpu.memory_space<vmem>>) target(%dma_start3A_67 : memref<80x128xf32, #tpu.memory_space<vmem_shared>>) target_semaphore(%run_scoped3A : memref<!tpu.dma_semaphore, #tpu.memory_space<semaphore_mem>>)
          %dma_wait3A_68 = arith.constant 0 : i32
          %dma_wait3A_69 = tpu.memref_slice %arg26[%add3A_63, %dma_wait3A_68] : memref<10240x128xf32, #tpu.memory_space<vmem_shared>> -> memref<80x128xf32, #tpu.memory_space<vmem_shared>>
          %dma_wait3A_70 = arith.constant 0 : i32
          %dma_wait3A_71 = tpu.memref_slice %arg26[%add3A_63, %dma_wait3A_70] : memref<10240x128xf32, #tpu.memory_space<vmem_shared>> -> memref<80x128xf32, #tpu.memory_space<vmem_shared>>
          tpu.wait_dma2 semaphore(%run_scoped3A : memref<!tpu.dma_semaphore, #tpu.memory_space<semaphore_mem>>) src(%arg22 : memref<80x128xf32, #tpu.memory_space<vmem>>) dst(%dma_wait3A_71 : memref<80x128xf32, #tpu.memory_space<vmem_shared>>)
          tpu.yield
        }) : () -> ()
      }
      %scan3A_53 = arith.constant 8 : i32
    } else {
    }
    %barrier3A = arith.constant 0 : index
    tpu.barrier barrier_id(%barrier3A)
    %add3A_10 = arith.constant 0 : i32
    %add3A_11 = arith.addi %mul3A_2, %add3A_10 : i32
    %dma_start3A = tpu.memref_slice %arg3[%add3A_11] : memref<320000xi32, #tpu.memory_space<hbm>> -> memref<80xi32, #tpu.memory_space<hbm>>
    %dma_start3A_12 = tpu.memref_slice %arg3[%add3A_11] : memref<320000xi32, #tpu.memory_space<hbm>> -> memref<80xi32, #tpu.memory_space<hbm>>
    tpu.enqueue_dma source(%dma_start3A_12 : memref<80xi32, #tpu.memory_space<hbm>>) target(%arg6 : memref<80xi32, #tpu.memory_space<vmem>>) target_semaphore(%arg27 : memref<!tpu.dma_semaphore, #tpu.memory_space<semaphore_mem>>)
    %dma_start3A_13 = tpu.memref_slice %arg4[%add3A_11] : memref<320000xi32, #tpu.memory_space<hbm>> -> memref<80xi32, #tpu.memory_space<hbm>>
    %dma_start3A_14 = tpu.memref_slice %arg4[%add3A_11] : memref<320000xi32, #tpu.memory_space<hbm>> -> memref<80xi32, #tpu.memory_space<hbm>>
    tpu.enqueue_dma source(%dma_start3A_14 : memref<80xi32, #tpu.memory_space<hbm>>) target(%arg14 : memref<80xi32, #tpu.memory_space<vmem>>) target_semaphore(%arg27 : memref<!tpu.dma_semaphore, #tpu.memory_space<semaphore_mem>>)
    %add3A_15 = arith.constant 80 : i32
    %add3A_16 = arith.addi %mul3A_2, %add3A_15 : i32
    %dma_start3A_17 = tpu.memref_slice %arg3[%add3A_16] : memref<320000xi32, #tpu.memory_space<hbm>> -> memref<80xi32, #tpu.memory_space<hbm>>
    %dma_start3A_18 = tpu.memref_slice %arg3[%add3A_16] : memref<320000xi32, #tpu.memory_space<hbm>> -> memref<80xi32, #tpu.memory_space<hbm>>
    tpu.enqueue_dma source(%dma_start3A_18 : memref<80xi32, #tpu.memory_space<hbm>>) target(%arg7 : memref<80xi32, #tpu.memory_space<vmem>>) target_semaphore(%arg28 : memref<!tpu.dma_semaphore, #tpu.memory_space<semaphore_mem>>)
    %dma_start3A_19 = tpu.memref_slice %arg4[%add3A_16] : memref<320000xi32, #tpu.memory_space<hbm>> -> memref<80xi32, #tpu.memory_space<hbm>>
    %dma_start3A_20 = tpu.memref_slice %arg4[%add3A_16] : memref<320000xi32, #tpu.memory_space<hbm>> -> memref<80xi32, #tpu.memory_space<hbm>>
    tpu.enqueue_dma source(%dma_start3A_20 : memref<80xi32, #tpu.memory_space<hbm>>) target(%arg15 : memref<80xi32, #tpu.memory_space<vmem>>) target_semaphore(%arg28 : memref<!tpu.dma_semaphore, #tpu.memory_space<semaphore_mem>>)
    %add3A_21 = arith.constant 160 : i32
    %add3A_22 = arith.addi %mul3A_2, %add3A_21 : i32
    %dma_start3A_23 = tpu.memref_slice %arg3[%add3A_22] : memref<320000xi32, #tpu.memory_space<hbm>> -> memref<80xi32, #tpu.memory_space<hbm>>
    %dma_start3A_24 = tpu.memref_slice %arg3[%add3A_22] : memref<320000xi32, #tpu.memory_space<hbm>> -> memref<80xi32, #tpu.memory_space<hbm>>
    tpu.enqueue_dma source(%dma_start3A_24 : memref<80xi32, #tpu.memory_space<hbm>>) target(%arg8 : memref<80xi32, #tpu.memory_space<vmem>>) target_semaphore(%arg29 : memref<!tpu.dma_semaphore, #tpu.memory_space<semaphore_mem>>)
    %dma_start3A_25 = tpu.memref_slice %arg4[%add3A_22] : memref<320000xi32, #tpu.memory_space<hbm>> -> memref<80xi32, #tpu.memory_space<hbm>>
    %dma_start3A_26 = tpu.memref_slice %arg4[%add3A_22] : memref<320000xi32, #tpu.memory_space<hbm>> -> memref<80xi32, #tpu.memory_space<hbm>>
    tpu.enqueue_dma source(%dma_start3A_26 : memref<80xi32, #tpu.memory_space<hbm>>) target(%arg16 : memref<80xi32, #tpu.memory_space<vmem>>) target_semaphore(%arg29 : memref<!tpu.dma_semaphore, #tpu.memory_space<semaphore_mem>>)
    %add3A_27 = arith.constant 240 : i32
    %add3A_28 = arith.addi %mul3A_2, %add3A_27 : i32
    %dma_start3A_29 = tpu.memref_slice %arg3[%add3A_28] : memref<320000xi32, #tpu.memory_space<hbm>> -> memref<80xi32, #tpu.memory_space<hbm>>
    %dma_start3A_30 = tpu.memref_slice %arg3[%add3A_28] : memref<320000xi32, #tpu.memory_space<hbm>> -> memref<80xi32, #tpu.memory_space<hbm>>
    tpu.enqueue_dma source(%dma_start3A_30 : memref<80xi32, #tpu.memory_space<hbm>>) target(%arg9 : memref<80xi32, #tpu.memory_space<vmem>>) target_semaphore(%arg30 : memref<!tpu.dma_semaphore, #tpu.memory_space<semaphore_mem>>)
    %dma_start3A_31 = tpu.memref_slice %arg4[%add3A_28] : memref<320000xi32, #tpu.memory_space<hbm>> -> memref<80xi32, #tpu.memory_space<hbm>>
    %dma_start3A_32 = tpu.memref_slice %arg4[%add3A_28] : memref<320000xi32, #tpu.memory_space<hbm>> -> memref<80xi32, #tpu.memory_space<hbm>>
    tpu.enqueue_dma source(%dma_start3A_32 : memref<80xi32, #tpu.memory_space<hbm>>) target(%arg17 : memref<80xi32, #tpu.memory_space<vmem>>) target_semaphore(%arg30 : memref<!tpu.dma_semaphore, #tpu.memory_space<semaphore_mem>>)
    %scan3A = arith.constant 0 : i32
    %scan3A_33 = arith.constant 16 : i32
    %scan3A_34 = arith.addi %scan3A, %scan3A_33 : i32
    %scan3A_35 = arith.constant 1 : i32
    scf.for %scan3A_44 = %scan3A to %scan3A_34 step %scan3A_35  : i32 {
      %mul3A_45 = arith.constant 8 : i32
      %mul3A_46 = arith.muli %scan3A_44, %mul3A_45 : i32
      %add3A_47 = arith.constant 0 : i32
      %add3A_48 = arith.addi %add3A_47, %mul3A_46 : i32
      %add3A_49 = arith.constant 0 : i32
      %add3A_50 = arith.addi %add3A_48, %add3A_49 : i32
      %ge3A = arith.constant 4 : i32
      %ge3A_51 = arith.cmpi sge, %add3A_50, %ge3A : i32
      %convert_element_type3A_52 = arith.extui %ge3A_51 : i1 to i32
      %cond3A_53 = arith.constant 0 : i32
      %cond3A_54 = arith.cmpi ne, %convert_element_type3A_52, %cond3A_53 : i32
      scf.if %cond3A_54 {
        %dma_wait3A_277 = arith.constant 0 : i32
        %dma_wait3A_278 = arith.constant 0 : i32
        %dma_wait3A_279 = tpu.memref_slice %arg26[%dma_wait3A_277, %dma_wait3A_278] : memref<10240x128xf32, #tpu.memory_space<vmem_shared>> -> memref<10240x128xf32, #tpu.memory_space<vmem_shared>>
        tpu.wait_indirect_dma semaphore(%arg39 : memref<!tpu.dma_semaphore, #tpu.memory_space<semaphore_mem>>) src(%arg22 : memref<80x128xf32, #tpu.memory_space<vmem>>) dst(%dma_wait3A_279 : memref<10240x128xf32, #tpu.memory_space<vmem_shared>>)
      } else {
      }
      %add3A_55 = arith.constant 4 : i32
      %add3A_56 = arith.addi %add3A_50, %add3A_55 : i32
      %lt3A = arith.constant 125 : i32
      %lt3A_57 = arith.cmpi slt, %add3A_56, %lt3A : i32
      %convert_element_type3A_58 = arith.extui %lt3A_57 : i1 to i32
      %cond3A_59 = arith.constant 0 : i32
      %cond3A_60 = arith.cmpi ne, %convert_element_type3A_58, %cond3A_59 : i32
      scf.if %cond3A_60 {
        %add3A_277 = arith.constant 4 : i32
        %add3A_278 = arith.addi %add3A_50, %add3A_277 : i32
        %mul3A_279 = arith.constant 80 : i32
        %mul3A_280 = arith.muli %add3A_278, %mul3A_279 : i32
        %add3A_281 = arith.addi %mul3A_2, %mul3A_280 : i32
        %dma_start3A_282 = tpu.memref_slice %arg3[%add3A_281] : memref<320000xi32, #tpu.memory_space<hbm>> -> memref<80xi32, #tpu.memory_space<hbm>>
        %dma_start3A_283 = tpu.memref_slice %arg3[%add3A_281] : memref<320000xi32, #tpu.memory_space<hbm>> -> memref<80xi32, #tpu.memory_space<hbm>>
        tpu.enqueue_dma source(%dma_start3A_283 : memref<80xi32, #tpu.memory_space<hbm>>) target(%arg10 : memref<80xi32, #tpu.memory_space<vmem>>) target_semaphore(%arg31 : memref<!tpu.dma_semaphore, #tpu.memory_space<semaphore_mem>>)
        %dma_start3A_284 = tpu.memref_slice %arg4[%add3A_281] : memref<320000xi32, #tpu.memory_space<hbm>> -> memref<80xi32, #tpu.memory_space<hbm>>
        %dma_start3A_285 = tpu.memref_slice %arg4[%add3A_281] : memref<320000xi32, #tpu.memory_space<hbm>> -> memref<80xi32, #tpu.memory_space<hbm>>
        tpu.enqueue_dma source(%dma_start3A_285 : memref<80xi32, #tpu.memory_space<hbm>>) target(%arg18 : memref<80xi32, #tpu.memory_space<vmem>>) target_semaphore(%arg31 : memref<!tpu.dma_semaphore, #tpu.memory_space<semaphore_mem>>)
      } else {
      }
      %lt3A_61 = arith.constant 125 : i32
      %lt3A_62 = arith.cmpi slt, %add3A_50, %lt3A_61 : i32
      %convert_element_type3A_63 = arith.extui %lt3A_62 : i1 to i32
      %cond3A_64 = arith.constant 0 : i32
      %cond3A_65 = arith.cmpi ne, %convert_element_type3A_63, %cond3A_64 : i32
      scf.if %cond3A_65 {
        %mul3A_277 = arith.constant 80 : i32
        %mul3A_278 = arith.muli %add3A_50, %mul3A_277 : i32
        %add3A_279 = arith.addi %mul3A_2, %mul3A_278 : i32
        %dma_wait3A_280 = tpu.memref_slice %arg3[%add3A_279] : memref<320000xi32, #tpu.memory_space<hbm>> -> memref<80xi32, #tpu.memory_space<hbm>>
        %dma_wait3A_281 = tpu.memref_slice %arg3[%add3A_279] : memref<320000xi32, #tpu.memory_space<hbm>> -> memref<80xi32, #tpu.memory_space<hbm>>
        tpu.wait_dma2 semaphore(%arg27 : memref<!tpu.dma_semaphore, #tpu.memory_space<semaphore_mem>>) src(%dma_wait3A_281 : memref<80xi32, #tpu.memory_space<hbm>>) dst(%arg6 : memref<80xi32, #tpu.memory_space<vmem>>)
        %dma_wait3A_282 = tpu.memref_slice %arg4[%add3A_279] : memref<320000xi32, #tpu.memory_space<hbm>> -> memref<80xi32, #tpu.memory_space<hbm>>
        %dma_wait3A_283 = tpu.memref_slice %arg4[%add3A_279] : memref<320000xi32, #tpu.memory_space<hbm>> -> memref<80xi32, #tpu.memory_space<hbm>>
        tpu.wait_dma2 semaphore(%arg27 : memref<!tpu.dma_semaphore, #tpu.memory_space<semaphore_mem>>) src(%dma_wait3A_283 : memref<80xi32, #tpu.memory_space<hbm>>) dst(%arg14 : memref<80xi32, #tpu.memory_space<vmem>>)
        %dma_start3A_284 = arith.constant 0 : i32
        %dma_start3A_285 = arith.constant 0 : i32
        %dma_start3A_286 = tpu.memref_slice %arg2[%dma_start3A_284, %dma_start3A_285] : memref<10000x128xf32, #tpu.memory_space<hbm>> -> memref<10000x128xf32, #tpu.memory_space<hbm>>
        tpu.enqueue_indirect_dma source(%dma_start3A_286 : memref<10000x128xf32, #tpu.memory_space<hbm>>) target(%arg22 : memref<80x128xf32, #tpu.memory_space<vmem>>) offsets(%arg6 : memref<80xi32, #tpu.memory_space<vmem>>) semaphore(%arg35 : memref<!tpu.dma_semaphore, #tpu.memory_space<semaphore_mem>>)
      } else {
      }
      %ge3A_66 = arith.constant 2 : i32
      %ge3A_67 = arith.cmpi sge, %add3A_50, %ge3A_66 : i32
      %sub3A = arith.constant 2 : i32
      %sub3A_68 = arith.subi %add3A_50, %sub3A : i32
      %lt3A_69 = arith.constant 125 : i32
      %lt3A_70 = arith.cmpi slt, %sub3A_68, %lt3A_69 : i32
      %and3A = arith.andi %ge3A_67, %lt3A_70 : i1
      %convert_element_type3A_71 = arith.extui %and3A : i1 to i32
      %cond3A_72 = arith.constant 0 : i32
      %cond3A_73 = arith.cmpi ne, %convert_element_type3A_71, %cond3A_72 : i32
      scf.if %cond3A_73 {
        %dma_wait3A_277 = arith.constant 0 : i32
        %dma_wait3A_278 = arith.constant 0 : i32
        %dma_wait3A_279 = tpu.memref_slice %arg2[%dma_wait3A_277, %dma_wait3A_278] : memref<10000x128xf32, #tpu.memory_space<hbm>> -> memref<10000x128xf32, #tpu.memory_space<hbm>>
        tpu.wait_indirect_dma semaphore(%arg37 : memref<!tpu.dma_semaphore, #tpu.memory_space<semaphore_mem>>) src(%dma_wait3A_279 : memref<10000x128xf32, #tpu.memory_space<hbm>>) dst(%arg24 : memref<80x128xf32, #tpu.memory_space<vmem>>)
        %dma_start3A_280 = arith.constant 0 : i32
        %dma_start3A_281 = arith.constant 0 : i32
        %dma_start3A_282 = tpu.memref_slice %arg26[%dma_start3A_280, %dma_start3A_281] : memref<10240x128xf32, #tpu.memory_space<vmem_shared>> -> memref<10240x128xf32, #tpu.memory_space<vmem_shared>>
        tpu.enqueue_indirect_dma source(%arg24 : memref<80x128xf32, #tpu.memory_space<vmem>>) target(%dma_start3A_282 : memref<10240x128xf32, #tpu.memory_space<vmem_shared>>) offsets(%arg20 : memref<80xi32, #tpu.memory_space<vmem>>) semaphore(%arg41 : memref<!tpu.dma_semaphore, #tpu.memory_space<semaphore_mem>>) {add = true}
      } else {
      }
      %add3A_74 = arith.constant 1 : i32
      %add3A_75 = arith.addi %add3A_48, %add3A_74 : i32
      %ge3A_76 = arith.constant 4 : i32
      %ge3A_77 = arith.cmpi sge, %add3A_75, %ge3A_76 : i32
      %convert_element_type3A_78 = arith.extui %ge3A_77 : i1 to i32
      %cond3A_79 = arith.constant 0 : i32
      %cond3A_80 = arith.cmpi ne, %convert_element_type3A_78, %cond3A_79 : i32
      scf.if %cond3A_80 {
        %dma_wait3A_277 = arith.constant 0 : i32
        %dma_wait3A_278 = arith.constant 0 : i32
        %dma_wait3A_279 = tpu.memref_slice %arg26[%dma_wait3A_277, %dma_wait3A_278] : memref<10240x128xf32, #tpu.memory_space<vmem_shared>> -> memref<10240x128xf32, #tpu.memory_space<vmem_shared>>
        tpu.wait_indirect_dma semaphore(%arg40 : memref<!tpu.dma_semaphore, #tpu.memory_space<semaphore_mem>>) src(%arg23 : memref<80x128xf32, #tpu.memory_space<vmem>>) dst(%dma_wait3A_279 : memref<10240x128xf32, #tpu.memory_space<vmem_shared>>)
      } else {
      }
      %add3A_81 = arith.constant 4 : i32
      %add3A_82 = arith.addi %add3A_75, %add3A_81 : i32
      %lt3A_83 = arith.constant 125 : i32
      %lt3A_84 = arith.cmpi slt, %add3A_82, %lt3A_83 : i32
      %convert_element_type3A_85 = arith.extui %lt3A_84 : i1 to i32
      %cond3A_86 = arith.constant 0 : i32
      %cond3A_87 = arith.cmpi ne, %convert_element_type3A_85, %cond3A_86 : i32
      scf.if %cond3A_87 {
        %add3A_277 = arith.constant 4 : i32
        %add3A_278 = arith.addi %add3A_75, %add3A_277 : i32
        %mul3A_279 = arith.constant 80 : i32
        %mul3A_280 = arith.muli %add3A_278, %mul3A_279 : i32
        %add3A_281 = arith.addi %mul3A_2, %mul3A_280 : i32
        %dma_start3A_282 = tpu.memref_slice %arg3[%add3A_281] : memref<320000xi32, #tpu.memory_space<hbm>> -> memref<80xi32, #tpu.memory_space<hbm>>
        %dma_start3A_283 = tpu.memref_slice %arg3[%add3A_281] : memref<320000xi32, #tpu.memory_space<hbm>> -> memref<80xi32, #tpu.memory_space<hbm>>
        tpu.enqueue_dma source(%dma_start3A_283 : memref<80xi32, #tpu.memory_space<hbm>>) target(%arg11 : memref<80xi32, #tpu.memory_space<vmem>>) target_semaphore(%arg32 : memref<!tpu.dma_semaphore, #tpu.memory_space<semaphore_mem>>)
        %dma_start3A_284 = tpu.memref_slice %arg4[%add3A_281] : memref<320000xi32, #tpu.memory_space<hbm>> -> memref<80xi32, #tpu.memory_space<hbm>>
        %dma_start3A_285 = tpu.memref_slice %arg4[%add3A_281] : memref<320000xi32, #tpu.memory_space<hbm>> -> memref<80xi32, #tpu.memory_space<hbm>>
        tpu.enqueue_dma source(%dma_start3A_285 : memref<80xi32, #tpu.memory_space<hbm>>) target(%arg19 : memref<80xi32, #tpu.memory_space<vmem>>) target_semaphore(%arg32 : memref<!tpu.dma_semaphore, #tpu.memory_space<semaphore_mem>>)
      } else {
      }
      %lt3A_88 = arith.constant 125 : i32
      %lt3A_89 = arith.cmpi slt, %add3A_75, %lt3A_88 : i32
      %convert_element_type3A_90 = arith.extui %lt3A_89 : i1 to i32
      %cond3A_91 = arith.constant 0 : i32
      %cond3A_92 = arith.cmpi ne, %convert_element_type3A_90, %cond3A_91 : i32
      scf.if %cond3A_92 {
        %mul3A_277 = arith.constant 80 : i32
        %mul3A_278 = arith.muli %add3A_75, %mul3A_277 : i32
        %add3A_279 = arith.addi %mul3A_2, %mul3A_278 : i32
        %dma_wait3A_280 = tpu.memref_slice %arg3[%add3A_279] : memref<320000xi32, #tpu.memory_space<hbm>> -> memref<80xi32, #tpu.memory_space<hbm>>
        %dma_wait3A_281 = tpu.memref_slice %arg3[%add3A_279] : memref<320000xi32, #tpu.memory_space<hbm>> -> memref<80xi32, #tpu.memory_space<hbm>>
        tpu.wait_dma2 semaphore(%arg28 : memref<!tpu.dma_semaphore, #tpu.memory_space<semaphore_mem>>) src(%dma_wait3A_281 : memref<80xi32, #tpu.memory_space<hbm>>) dst(%arg7 : memref<80xi32, #tpu.memory_space<vmem>>)
        %dma_wait3A_282 = tpu.memref_slice %arg4[%add3A_279] : memref<320000xi32, #tpu.memory_space<hbm>> -> memref<80xi32, #tpu.memory_space<hbm>>
        %dma_wait3A_283 = tpu.memref_slice %arg4[%add3A_279] : memref<320000xi32, #tpu.memory_space<hbm>> -> memref<80xi32, #tpu.memory_space<hbm>>
        tpu.wait_dma2 semaphore(%arg28 : memref<!tpu.dma_semaphore, #tpu.memory_space<semaphore_mem>>) src(%dma_wait3A_283 : memref<80xi32, #tpu.memory_space<hbm>>) dst(%arg15 : memref<80xi32, #tpu.memory_space<vmem>>)
        %dma_start3A_284 = arith.constant 0 : i32
        %dma_start3A_285 = arith.constant 0 : i32
        %dma_start3A_286 = tpu.memref_slice %arg2[%dma_start3A_284, %dma_start3A_285] : memref<10000x128xf32, #tpu.memory_space<hbm>> -> memref<10000x128xf32, #tpu.memory_space<hbm>>
        tpu.enqueue_indirect_dma source(%dma_start3A_286 : memref<10000x128xf32, #tpu.memory_space<hbm>>) target(%arg23 : memref<80x128xf32, #tpu.memory_space<vmem>>) offsets(%arg7 : memref<80xi32, #tpu.memory_space<vmem>>) semaphore(%arg36 : memref<!tpu.dma_semaphore, #tpu.memory_space<semaphore_mem>>)
      } else {
      }
      %ge3A_93 = arith.constant 2 : i32
      %ge3A_94 = arith.cmpi sge, %add3A_75, %ge3A_93 : i32
      %sub3A_95 = arith.constant 2 : i32
      %sub3A_96 = arith.subi %add3A_75, %sub3A_95 : i32
      %lt3A_97 = arith.constant 125 : i32
      %lt3A_98 = arith.cmpi slt, %sub3A_96, %lt3A_97 : i32
      %and3A_99 = arith.andi %ge3A_94, %lt3A_98 : i1
      %convert_element_type3A_100 = arith.extui %and3A_99 : i1 to i32
      %cond3A_101 = arith.constant 0 : i32
      %cond3A_102 = arith.cmpi ne, %convert_element_type3A_100, %cond3A_101 : i32
      scf.if %cond3A_102 {
        %dma_wait3A_277 = arith.constant 0 : i32
        %dma_wait3A_278 = arith.constant 0 : i32
        %dma_wait3A_279 = tpu.memref_slice %arg2[%dma_wait3A_277, %dma_wait3A_278] : memref<10000x128xf32, #tpu.memory_space<hbm>> -> memref<10000x128xf32, #tpu.memory_space<hbm>>
        tpu.wait_indirect_dma semaphore(%arg38 : memref<!tpu.dma_semaphore, #tpu.memory_space<semaphore_mem>>) src(%dma_wait3A_279 : memref<10000x128xf32, #tpu.memory_space<hbm>>) dst(%arg25 : memref<80x128xf32, #tpu.memory_space<vmem>>)
        %dma_start3A_280 = arith.constant 0 : i32
        %dma_start3A_281 = arith.constant 0 : i32
        %dma_start3A_282 = tpu.memref_slice %arg26[%dma_start3A_280, %dma_start3A_281] : memref<10240x128xf32, #tpu.memory_space<vmem_shared>> -> memref<10240x128xf32, #tpu.memory_space<vmem_shared>>
        tpu.enqueue_indirect_dma source(%arg25 : memref<80x128xf32, #tpu.memory_space<vmem>>) target(%dma_start3A_282 : memref<10240x128xf32, #tpu.memory_space<vmem_shared>>) offsets(%arg21 : memref<80xi32, #tpu.memory_space<vmem>>) semaphore(%arg42 : memref<!tpu.dma_semaphore, #tpu.memory_space<semaphore_mem>>) {add = true}
      } else {
      }
      %add3A_103 = arith.constant 2 : i32
      %add3A_104 = arith.addi %add3A_48, %add3A_103 : i32
      %ge3A_105 = arith.constant 4 : i32
      %ge3A_106 = arith.cmpi sge, %add3A_104, %ge3A_105 : i32
      %convert_element_type3A_107 = arith.extui %ge3A_106 : i1 to i32
      %cond3A_108 = arith.constant 0 : i32
      %cond3A_109 = arith.cmpi ne, %convert_element_type3A_107, %cond3A_108 : i32
      scf.if %cond3A_109 {
        %dma_wait3A_277 = arith.constant 0 : i32
        %dma_wait3A_278 = arith.constant 0 : i32
        %dma_wait3A_279 = tpu.memref_slice %arg26[%dma_wait3A_277, %dma_wait3A_278] : memref<10240x128xf32, #tpu.memory_space<vmem_shared>> -> memref<10240x128xf32, #tpu.memory_space<vmem_shared>>
        tpu.wait_indirect_dma semaphore(%arg41 : memref<!tpu.dma_semaphore, #tpu.memory_space<semaphore_mem>>) src(%arg24 : memref<80x128xf32, #tpu.memory_space<vmem>>) dst(%dma_wait3A_279 : memref<10240x128xf32, #tpu.memory_space<vmem_shared>>)
      } else {
      }
      %add3A_110 = arith.constant 4 : i32
      %add3A_111 = arith.addi %add3A_104, %add3A_110 : i32
      %lt3A_112 = arith.constant 125 : i32
      %lt3A_113 = arith.cmpi slt, %add3A_111, %lt3A_112 : i32
      %convert_element_type3A_114 = arith.extui %lt3A_113 : i1 to i32
      %cond3A_115 = arith.constant 0 : i32
      %cond3A_116 = arith.cmpi ne, %convert_element_type3A_114, %cond3A_115 : i32
      scf.if %cond3A_116 {
        %add3A_277 = arith.constant 4 : i32
        %add3A_278 = arith.addi %add3A_104, %add3A_277 : i32
        %mul3A_279 = arith.constant 80 : i32
        %mul3A_280 = arith.muli %add3A_278, %mul3A_279 : i32
        %add3A_281 = arith.addi %mul3A_2, %mul3A_280 : i32
        %dma_start3A_282 = tpu.memref_slice %arg3[%add3A_281] : memref<320000xi32, #tpu.memory_space<hbm>> -> memref<80xi32, #tpu.memory_space<hbm>>
        %dma_start3A_283 = tpu.memref_slice %arg3[%add3A_281] : memref<320000xi32, #tpu.memory_space<hbm>> -> memref<80xi32, #tpu.memory_space<hbm>>
        tpu.enqueue_dma source(%dma_start3A_283 : memref<80xi32, #tpu.memory_space<hbm>>) target(%arg12 : memref<80xi32, #tpu.memory_space<vmem>>) target_semaphore(%arg33 : memref<!tpu.dma_semaphore, #tpu.memory_space<semaphore_mem>>)
        %dma_start3A_284 = tpu.memref_slice %arg4[%add3A_281] : memref<320000xi32, #tpu.memory_space<hbm>> -> memref<80xi32, #tpu.memory_space<hbm>>
        %dma_start3A_285 = tpu.memref_slice %arg4[%add3A_281] : memref<320000xi32, #tpu.memory_space<hbm>> -> memref<80xi32, #tpu.memory_space<hbm>>
        tpu.enqueue_dma source(%dma_start3A_285 : memref<80xi32, #tpu.memory_space<hbm>>) target(%arg20 : memref<80xi32, #tpu.memory_space<vmem>>) target_semaphore(%arg33 : memref<!tpu.dma_semaphore, #tpu.memory_space<semaphore_mem>>)
      } else {
      }
      %lt3A_117 = arith.constant 125 : i32
      %lt3A_118 = arith.cmpi slt, %add3A_104, %lt3A_117 : i32
      %convert_element_type3A_119 = arith.extui %lt3A_118 : i1 to i32
      %cond3A_120 = arith.constant 0 : i32
      %cond3A_121 = arith.cmpi ne, %convert_element_type3A_119, %cond3A_120 : i32
      scf.if %cond3A_121 {
        %mul3A_277 = arith.constant 80 : i32
        %mul3A_278 = arith.muli %add3A_104, %mul3A_277 : i32
        %add3A_279 = arith.addi %mul3A_2, %mul3A_278 : i32
        %dma_wait3A_280 = tpu.memref_slice %arg3[%add3A_279] : memref<320000xi32, #tpu.memory_space<hbm>> -> memref<80xi32, #tpu.memory_space<hbm>>
        %dma_wait3A_281 = tpu.memref_slice %arg3[%add3A_279] : memref<320000xi32, #tpu.memory_space<hbm>> -> memref<80xi32, #tpu.memory_space<hbm>>
        tpu.wait_dma2 semaphore(%arg29 : memref<!tpu.dma_semaphore, #tpu.memory_space<semaphore_mem>>) src(%dma_wait3A_281 : memref<80xi32, #tpu.memory_space<hbm>>) dst(%arg8 : memref<80xi32, #tpu.memory_space<vmem>>)
        %dma_wait3A_282 = tpu.memref_slice %arg4[%add3A_279] : memref<320000xi32, #tpu.memory_space<hbm>> -> memref<80xi32, #tpu.memory_space<hbm>>
        %dma_wait3A_283 = tpu.memref_slice %arg4[%add3A_279] : memref<320000xi32, #tpu.memory_space<hbm>> -> memref<80xi32, #tpu.memory_space<hbm>>
        tpu.wait_dma2 semaphore(%arg29 : memref<!tpu.dma_semaphore, #tpu.memory_space<semaphore_mem>>) src(%dma_wait3A_283 : memref<80xi32, #tpu.memory_space<hbm>>) dst(%arg16 : memref<80xi32, #tpu.memory_space<vmem>>)
        %dma_start3A_284 = arith.constant 0 : i32
        %dma_start3A_285 = arith.constant 0 : i32
        %dma_start3A_286 = tpu.memref_slice %arg2[%dma_start3A_284, %dma_start3A_285] : memref<10000x128xf32, #tpu.memory_space<hbm>> -> memref<10000x128xf32, #tpu.memory_space<hbm>>
        tpu.enqueue_indirect_dma source(%dma_start3A_286 : memref<10000x128xf32, #tpu.memory_space<hbm>>) target(%arg24 : memref<80x128xf32, #tpu.memory_space<vmem>>) offsets(%arg8 : memref<80xi32, #tpu.memory_space<vmem>>) semaphore(%arg37 : memref<!tpu.dma_semaphore, #tpu.memory_space<semaphore_mem>>)
      } else {
      }
      %ge3A_122 = arith.constant 2 : i32
      %ge3A_123 = arith.cmpi sge, %add3A_104, %ge3A_122 : i32
      %sub3A_124 = arith.constant 2 : i32
      %sub3A_125 = arith.subi %add3A_104, %sub3A_124 : i32
      %lt3A_126 = arith.constant 125 : i32
      %lt3A_127 = arith.cmpi slt, %sub3A_125, %lt3A_126 : i32
      %and3A_128 = arith.andi %ge3A_123, %lt3A_127 : i1
      %convert_element_type3A_129 = arith.extui %and3A_128 : i1 to i32
      %cond3A_130 = arith.constant 0 : i32
      %cond3A_131 = arith.cmpi ne, %convert_element_type3A_129, %cond3A_130 : i32
      scf.if %cond3A_131 {
        %dma_wait3A_277 = arith.constant 0 : i32
        %dma_wait3A_278 = arith.constant 0 : i32
        %dma_wait3A_279 = tpu.memref_slice %arg2[%dma_wait3A_277, %dma_wait3A_278] : memref<10000x128xf32, #tpu.memory_space<hbm>> -> memref<10000x128xf32, #tpu.memory_space<hbm>>
        tpu.wait_indirect_dma semaphore(%arg35 : memref<!tpu.dma_semaphore, #tpu.memory_space<semaphore_mem>>) src(%dma_wait3A_279 : memref<10000x128xf32, #tpu.memory_space<hbm>>) dst(%arg22 : memref<80x128xf32, #tpu.memory_space<vmem>>)
        %dma_start3A_280 = arith.constant 0 : i32
        %dma_start3A_281 = arith.constant 0 : i32
        %dma_start3A_282 = tpu.memref_slice %arg26[%dma_start3A_280, %dma_start3A_281] : memref<10240x128xf32, #tpu.memory_space<vmem_shared>> -> memref<10240x128xf32, #tpu.memory_space<vmem_shared>>
        tpu.enqueue_indirect_dma source(%arg22 : memref<80x128xf32, #tpu.memory_space<vmem>>) target(%dma_start3A_282 : memref<10240x128xf32, #tpu.memory_space<vmem_shared>>) offsets(%arg14 : memref<80xi32, #tpu.memory_space<vmem>>) semaphore(%arg39 : memref<!tpu.dma_semaphore, #tpu.memory_space<semaphore_mem>>) {add = true}
      } else {
      }
      %add3A_132 = arith.constant 3 : i32
      %add3A_133 = arith.addi %add3A_48, %add3A_132 : i32
      %ge3A_134 = arith.constant 4 : i32
      %ge3A_135 = arith.cmpi sge, %add3A_133, %ge3A_134 : i32
      %convert_element_type3A_136 = arith.extui %ge3A_135 : i1 to i32
      %cond3A_137 = arith.constant 0 : i32
      %cond3A_138 = arith.cmpi ne, %convert_element_type3A_136, %cond3A_137 : i32
      scf.if %cond3A_138 {
        %dma_wait3A_277 = arith.constant 0 : i32
        %dma_wait3A_278 = arith.constant 0 : i32
        %dma_wait3A_279 = tpu.memref_slice %arg26[%dma_wait3A_277, %dma_wait3A_278] : memref<10240x128xf32, #tpu.memory_space<vmem_shared>> -> memref<10240x128xf32, #tpu.memory_space<vmem_shared>>
        tpu.wait_indirect_dma semaphore(%arg42 : memref<!tpu.dma_semaphore, #tpu.memory_space<semaphore_mem>>) src(%arg25 : memref<80x128xf32, #tpu.memory_space<vmem>>) dst(%dma_wait3A_279 : memref<10240x128xf32, #tpu.memory_space<vmem_shared>>)
      } else {
      }
      %add3A_139 = arith.constant 4 : i32
      %add3A_140 = arith.addi %add3A_133, %add3A_139 : i32
      %lt3A_141 = arith.constant 125 : i32
      %lt3A_142 = arith.cmpi slt, %add3A_140, %lt3A_141 : i32
      %convert_element_type3A_143 = arith.extui %lt3A_142 : i1 to i32
      %cond3A_144 = arith.constant 0 : i32
      %cond3A_145 = arith.cmpi ne, %convert_element_type3A_143, %cond3A_144 : i32
      scf.if %cond3A_145 {
        %add3A_277 = arith.constant 4 : i32
        %add3A_278 = arith.addi %add3A_133, %add3A_277 : i32
        %mul3A_279 = arith.constant 80 : i32
        %mul3A_280 = arith.muli %add3A_278, %mul3A_279 : i32
        %add3A_281 = arith.addi %mul3A_2, %mul3A_280 : i32
        %dma_start3A_282 = tpu.memref_slice %arg3[%add3A_281] : memref<320000xi32, #tpu.memory_space<hbm>> -> memref<80xi32, #tpu.memory_space<hbm>>
        %dma_start3A_283 = tpu.memref_slice %arg3[%add3A_281] : memref<320000xi32, #tpu.memory_space<hbm>> -> memref<80xi32, #tpu.memory_space<hbm>>
        tpu.enqueue_dma source(%dma_start3A_283 : memref<80xi32, #tpu.memory_space<hbm>>) target(%arg13 : memref<80xi32, #tpu.memory_space<vmem>>) target_semaphore(%arg34 : memref<!tpu.dma_semaphore, #tpu.memory_space<semaphore_mem>>)
        %dma_start3A_284 = tpu.memref_slice %arg4[%add3A_281] : memref<320000xi32, #tpu.memory_space<hbm>> -> memref<80xi32, #tpu.memory_space<hbm>>
        %dma_start3A_285 = tpu.memref_slice %arg4[%add3A_281] : memref<320000xi32, #tpu.memory_space<hbm>> -> memref<80xi32, #tpu.memory_space<hbm>>
        tpu.enqueue_dma source(%dma_start3A_285 : memref<80xi32, #tpu.memory_space<hbm>>) target(%arg21 : memref<80xi32, #tpu.memory_space<vmem>>) target_semaphore(%arg34 : memref<!tpu.dma_semaphore, #tpu.memory_space<semaphore_mem>>)
      } else {
      }
      %lt3A_146 = arith.constant 125 : i32
      %lt3A_147 = arith.cmpi slt, %add3A_133, %lt3A_146 : i32
      %convert_element_type3A_148 = arith.extui %lt3A_147 : i1 to i32
      %cond3A_149 = arith.constant 0 : i32
      %cond3A_150 = arith.cmpi ne, %convert_element_type3A_148, %cond3A_149 : i32
      scf.if %cond3A_150 {
        %mul3A_277 = arith.constant 80 : i32
        %mul3A_278 = arith.muli %add3A_133, %mul3A_277 : i32
        %add3A_279 = arith.addi %mul3A_2, %mul3A_278 : i32
        %dma_wait3A_280 = tpu.memref_slice %arg3[%add3A_279] : memref<320000xi32, #tpu.memory_space<hbm>> -> memref<80xi32, #tpu.memory_space<hbm>>
        %dma_wait3A_281 = tpu.memref_slice %arg3[%add3A_279] : memref<320000xi32, #tpu.memory_space<hbm>> -> memref<80xi32, #tpu.memory_space<hbm>>
        tpu.wait_dma2 semaphore(%arg30 : memref<!tpu.dma_semaphore, #tpu.memory_space<semaphore_mem>>) src(%dma_wait3A_281 : memref<80xi32, #tpu.memory_space<hbm>>) dst(%arg9 : memref<80xi32, #tpu.memory_space<vmem>>)
        %dma_wait3A_282 = tpu.memref_slice %arg4[%add3A_279] : memref<320000xi32, #tpu.memory_space<hbm>> -> memref<80xi32, #tpu.memory_space<hbm>>
        %dma_wait3A_283 = tpu.memref_slice %arg4[%add3A_279] : memref<320000xi32, #tpu.memory_space<hbm>> -> memref<80xi32, #tpu.memory_space<hbm>>
        tpu.wait_dma2 semaphore(%arg30 : memref<!tpu.dma_semaphore, #tpu.memory_space<semaphore_mem>>) src(%dma_wait3A_283 : memref<80xi32, #tpu.memory_space<hbm>>) dst(%arg17 : memref<80xi32, #tpu.memory_space<vmem>>)
        %dma_start3A_284 = arith.constant 0 : i32
        %dma_start3A_285 = arith.constant 0 : i32
        %dma_start3A_286 = tpu.memref_slice %arg2[%dma_start3A_284, %dma_start3A_285] : memref<10000x128xf32, #tpu.memory_space<hbm>> -> memref<10000x128xf32, #tpu.memory_space<hbm>>
        tpu.enqueue_indirect_dma source(%dma_start3A_286 : memref<10000x128xf32, #tpu.memory_space<hbm>>) target(%arg25 : memref<80x128xf32, #tpu.memory_space<vmem>>) offsets(%arg9 : memref<80xi32, #tpu.memory_space<vmem>>) semaphore(%arg38 : memref<!tpu.dma_semaphore, #tpu.memory_space<semaphore_mem>>)
      } else {
      }
      %ge3A_151 = arith.constant 2 : i32
      %ge3A_152 = arith.cmpi sge, %add3A_133, %ge3A_151 : i32
      %sub3A_153 = arith.constant 2 : i32
      %sub3A_154 = arith.subi %add3A_133, %sub3A_153 : i32
      %lt3A_155 = arith.constant 125 : i32
      %lt3A_156 = arith.cmpi slt, %sub3A_154, %lt3A_155 : i32
      %and3A_157 = arith.andi %ge3A_152, %lt3A_156 : i1
      %convert_element_type3A_158 = arith.extui %and3A_157 : i1 to i32
      %cond3A_159 = arith.constant 0 : i32
      %cond3A_160 = arith.cmpi ne, %convert_element_type3A_158, %cond3A_159 : i32
      scf.if %cond3A_160 {
        %dma_wait3A_277 = arith.constant 0 : i32
        %dma_wait3A_278 = arith.constant 0 : i32
        %dma_wait3A_279 = tpu.memref_slice %arg2[%dma_wait3A_277, %dma_wait3A_278] : memref<10000x128xf32, #tpu.memory_space<hbm>> -> memref<10000x128xf32, #tpu.memory_space<hbm>>
        tpu.wait_indirect_dma semaphore(%arg36 : memref<!tpu.dma_semaphore, #tpu.memory_space<semaphore_mem>>) src(%dma_wait3A_279 : memref<10000x128xf32, #tpu.memory_space<hbm>>) dst(%arg23 : memref<80x128xf32, #tpu.memory_space<vmem>>)
        %dma_start3A_280 = arith.constant 0 : i32
        %dma_start3A_281 = arith.constant 0 : i32
        %dma_start3A_282 = tpu.memref_slice %arg26[%dma_start3A_280, %dma_start3A_281] : memref<10240x128xf32, #tpu.memory_space<vmem_shared>> -> memref<10240x128xf32, #tpu.memory_space<vmem_shared>>
        tpu.enqueue_indirect_dma source(%arg23 : memref<80x128xf32, #tpu.memory_space<vmem>>) target(%dma_start3A_282 : memref<10240x128xf32, #tpu.memory_space<vmem_shared>>) offsets(%arg15 : memref<80xi32, #tpu.memory_space<vmem>>) semaphore(%arg40 : memref<!tpu.dma_semaphore, #tpu.memory_space<semaphore_mem>>) {add = true}
      } else {
      }
      %add3A_161 = arith.constant 4 : i32
      %add3A_162 = arith.addi %add3A_48, %add3A_161 : i32
      %ge3A_163 = arith.constant 4 : i32
      %ge3A_164 = arith.cmpi sge, %add3A_162, %ge3A_163 : i32
      %convert_element_type3A_165 = arith.extui %ge3A_164 : i1 to i32
      %cond3A_166 = arith.constant 0 : i32
      %cond3A_167 = arith.cmpi ne, %convert_element_type3A_165, %cond3A_166 : i32
      scf.if %cond3A_167 {
        %dma_wait3A_277 = arith.constant 0 : i32
        %dma_wait3A_278 = arith.constant 0 : i32
        %dma_wait3A_279 = tpu.memref_slice %arg26[%dma_wait3A_277, %dma_wait3A_278] : memref<10240x128xf32, #tpu.memory_space<vmem_shared>> -> memref<10240x128xf32, #tpu.memory_space<vmem_shared>>
        tpu.wait_indirect_dma semaphore(%arg39 : memref<!tpu.dma_semaphore, #tpu.memory_space<semaphore_mem>>) src(%arg22 : memref<80x128xf32, #tpu.memory_space<vmem>>) dst(%dma_wait3A_279 : memref<10240x128xf32, #tpu.memory_space<vmem_shared>>)
      } else {
      }
      %add3A_168 = arith.constant 4 : i32
      %add3A_169 = arith.addi %add3A_162, %add3A_168 : i32
      %lt3A_170 = arith.constant 125 : i32
      %lt3A_171 = arith.cmpi slt, %add3A_169, %lt3A_170 : i32
      %convert_element_type3A_172 = arith.extui %lt3A_171 : i1 to i32
      %cond3A_173 = arith.constant 0 : i32
      %cond3A_174 = arith.cmpi ne, %convert_element_type3A_172, %cond3A_173 : i32
      scf.if %cond3A_174 {
        %add3A_277 = arith.constant 4 : i32
        %add3A_278 = arith.addi %add3A_162, %add3A_277 : i32
        %mul3A_279 = arith.constant 80 : i32
        %mul3A_280 = arith.muli %add3A_278, %mul3A_279 : i32
        %add3A_281 = arith.addi %mul3A_2, %mul3A_280 : i32
        %dma_start3A_282 = tpu.memref_slice %arg3[%add3A_281] : memref<320000xi32, #tpu.memory_space<hbm>> -> memref<80xi32, #tpu.memory_space<hbm>>
        %dma_start3A_283 = tpu.memref_slice %arg3[%add3A_281] : memref<320000xi32, #tpu.memory_space<hbm>> -> memref<80xi32, #tpu.memory_space<hbm>>
        tpu.enqueue_dma source(%dma_start3A_283 : memref<80xi32, #tpu.memory_space<hbm>>) target(%arg6 : memref<80xi32, #tpu.memory_space<vmem>>) target_semaphore(%arg27 : memref<!tpu.dma_semaphore, #tpu.memory_space<semaphore_mem>>)
        %dma_start3A_284 = tpu.memref_slice %arg4[%add3A_281] : memref<320000xi32, #tpu.memory_space<hbm>> -> memref<80xi32, #tpu.memory_space<hbm>>
        %dma_start3A_285 = tpu.memref_slice %arg4[%add3A_281] : memref<320000xi32, #tpu.memory_space<hbm>> -> memref<80xi32, #tpu.memory_space<hbm>>
        tpu.enqueue_dma source(%dma_start3A_285 : memref<80xi32, #tpu.memory_space<hbm>>) target(%arg14 : memref<80xi32, #tpu.memory_space<vmem>>) target_semaphore(%arg27 : memref<!tpu.dma_semaphore, #tpu.memory_space<semaphore_mem>>)
      } else {
      }
      %lt3A_175 = arith.constant 125 : i32
      %lt3A_176 = arith.cmpi slt, %add3A_162, %lt3A_175 : i32
      %convert_element_type3A_177 = arith.extui %lt3A_176 : i1 to i32
      %cond3A_178 = arith.constant 0 : i32
      %cond3A_179 = arith.cmpi ne, %convert_element_type3A_177, %cond3A_178 : i32
      scf.if %cond3A_179 {
        %mul3A_277 = arith.constant 80 : i32
        %mul3A_278 = arith.muli %add3A_162, %mul3A_277 : i32
        %add3A_279 = arith.addi %mul3A_2, %mul3A_278 : i32
        %dma_wait3A_280 = tpu.memref_slice %arg3[%add3A_279] : memref<320000xi32, #tpu.memory_space<hbm>> -> memref<80xi32, #tpu.memory_space<hbm>>
        %dma_wait3A_281 = tpu.memref_slice %arg3[%add3A_279] : memref<320000xi32, #tpu.memory_space<hbm>> -> memref<80xi32, #tpu.memory_space<hbm>>
        tpu.wait_dma2 semaphore(%arg31 : memref<!tpu.dma_semaphore, #tpu.memory_space<semaphore_mem>>) src(%dma_wait3A_281 : memref<80xi32, #tpu.memory_space<hbm>>) dst(%arg10 : memref<80xi32, #tpu.memory_space<vmem>>)
        %dma_wait3A_282 = tpu.memref_slice %arg4[%add3A_279] : memref<320000xi32, #tpu.memory_space<hbm>> -> memref<80xi32, #tpu.memory_space<hbm>>
        %dma_wait3A_283 = tpu.memref_slice %arg4[%add3A_279] : memref<320000xi32, #tpu.memory_space<hbm>> -> memref<80xi32, #tpu.memory_space<hbm>>
        tpu.wait_dma2 semaphore(%arg31 : memref<!tpu.dma_semaphore, #tpu.memory_space<semaphore_mem>>) src(%dma_wait3A_283 : memref<80xi32, #tpu.memory_space<hbm>>) dst(%arg18 : memref<80xi32, #tpu.memory_space<vmem>>)
        %dma_start3A_284 = arith.constant 0 : i32
        %dma_start3A_285 = arith.constant 0 : i32
        %dma_start3A_286 = tpu.memref_slice %arg2[%dma_start3A_284, %dma_start3A_285] : memref<10000x128xf32, #tpu.memory_space<hbm>> -> memref<10000x128xf32, #tpu.memory_space<hbm>>
        tpu.enqueue_indirect_dma source(%dma_start3A_286 : memref<10000x128xf32, #tpu.memory_space<hbm>>) target(%arg22 : memref<80x128xf32, #tpu.memory_space<vmem>>) offsets(%arg10 : memref<80xi32, #tpu.memory_space<vmem>>) semaphore(%arg35 : memref<!tpu.dma_semaphore, #tpu.memory_space<semaphore_mem>>)
      } else {
      }
      %ge3A_180 = arith.constant 2 : i32
      %ge3A_181 = arith.cmpi sge, %add3A_162, %ge3A_180 : i32
      %sub3A_182 = arith.constant 2 : i32
      %sub3A_183 = arith.subi %add3A_162, %sub3A_182 : i32
      %lt3A_184 = arith.constant 125 : i32
      %lt3A_185 = arith.cmpi slt, %sub3A_183, %lt3A_184 : i32
      %and3A_186 = arith.andi %ge3A_181, %lt3A_185 : i1
      %convert_element_type3A_187 = arith.extui %and3A_186 : i1 to i32
      %cond3A_188 = arith.constant 0 : i32
      %cond3A_189 = arith.cmpi ne, %convert_element_type3A_187, %cond3A_188 : i32
      scf.if %cond3A_189 {
        %dma_wait3A_277 = arith.constant 0 : i32
        %dma_wait3A_278 = arith.constant 0 : i32
        %dma_wait3A_279 = tpu.memref_slice %arg2[%dma_wait3A_277, %dma_wait3A_278] : memref<10000x128xf32, #tpu.memory_space<hbm>> -> memref<10000x128xf32, #tpu.memory_space<hbm>>
        tpu.wait_indirect_dma semaphore(%arg37 : memref<!tpu.dma_semaphore, #tpu.memory_space<semaphore_mem>>) src(%dma_wait3A_279 : memref<10000x128xf32, #tpu.memory_space<hbm>>) dst(%arg24 : memref<80x128xf32, #tpu.memory_space<vmem>>)
        %dma_start3A_280 = arith.constant 0 : i32
        %dma_start3A_281 = arith.constant 0 : i32
        %dma_start3A_282 = tpu.memref_slice %arg26[%dma_start3A_280, %dma_start3A_281] : memref<10240x128xf32, #tpu.memory_space<vmem_shared>> -> memref<10240x128xf32, #tpu.memory_space<vmem_shared>>
        tpu.enqueue_indirect_dma source(%arg24 : memref<80x128xf32, #tpu.memory_space<vmem>>) target(%dma_start3A_282 : memref<10240x128xf32, #tpu.memory_space<vmem_shared>>) offsets(%arg16 : memref<80xi32, #tpu.memory_space<vmem>>) semaphore(%arg41 : memref<!tpu.dma_semaphore, #tpu.memory_space<semaphore_mem>>) {add = true}
      } else {
      }
      %add3A_190 = arith.constant 5 : i32
      %add3A_191 = arith.addi %add3A_48, %add3A_190 : i32
      %ge3A_192 = arith.constant 4 : i32
      %ge3A_193 = arith.cmpi sge, %add3A_191, %ge3A_192 : i32
      %convert_element_type3A_194 = arith.extui %ge3A_193 : i1 to i32
      %cond3A_195 = arith.constant 0 : i32
      %cond3A_196 = arith.cmpi ne, %convert_element_type3A_194, %cond3A_195 : i32
      scf.if %cond3A_196 {
        %dma_wait3A_277 = arith.constant 0 : i32
        %dma_wait3A_278 = arith.constant 0 : i32
        %dma_wait3A_279 = tpu.memref_slice %arg26[%dma_wait3A_277, %dma_wait3A_278] : memref<10240x128xf32, #tpu.memory_space<vmem_shared>> -> memref<10240x128xf32, #tpu.memory_space<vmem_shared>>
        tpu.wait_indirect_dma semaphore(%arg40 : memref<!tpu.dma_semaphore, #tpu.memory_space<semaphore_mem>>) src(%arg23 : memref<80x128xf32, #tpu.memory_space<vmem>>) dst(%dma_wait3A_279 : memref<10240x128xf32, #tpu.memory_space<vmem_shared>>)
      } else {
      }
      %add3A_197 = arith.constant 4 : i32
      %add3A_198 = arith.addi %add3A_191, %add3A_197 : i32
      %lt3A_199 = arith.constant 125 : i32
      %lt3A_200 = arith.cmpi slt, %add3A_198, %lt3A_199 : i32
      %convert_element_type3A_201 = arith.extui %lt3A_200 : i1 to i32
      %cond3A_202 = arith.constant 0 : i32
      %cond3A_203 = arith.cmpi ne, %convert_element_type3A_201, %cond3A_202 : i32
      scf.if %cond3A_203 {
        %add3A_277 = arith.constant 4 : i32
        %add3A_278 = arith.addi %add3A_191, %add3A_277 : i32
        %mul3A_279 = arith.constant 80 : i32
        %mul3A_280 = arith.muli %add3A_278, %mul3A_279 : i32
        %add3A_281 = arith.addi %mul3A_2, %mul3A_280 : i32
        %dma_start3A_282 = tpu.memref_slice %arg3[%add3A_281] : memref<320000xi32, #tpu.memory_space<hbm>> -> memref<80xi32, #tpu.memory_space<hbm>>
        %dma_start3A_283 = tpu.memref_slice %arg3[%add3A_281] : memref<320000xi32, #tpu.memory_space<hbm>> -> memref<80xi32, #tpu.memory_space<hbm>>
        tpu.enqueue_dma source(%dma_start3A_283 : memref<80xi32, #tpu.memory_space<hbm>>) target(%arg7 : memref<80xi32, #tpu.memory_space<vmem>>) target_semaphore(%arg28 : memref<!tpu.dma_semaphore, #tpu.memory_space<semaphore_mem>>)
        %dma_start3A_284 = tpu.memref_slice %arg4[%add3A_281] : memref<320000xi32, #tpu.memory_space<hbm>> -> memref<80xi32, #tpu.memory_space<hbm>>
        %dma_start3A_285 = tpu.memref_slice %arg4[%add3A_281] : memref<320000xi32, #tpu.memory_space<hbm>> -> memref<80xi32, #tpu.memory_space<hbm>>
        tpu.enqueue_dma source(%dma_start3A_285 : memref<80xi32, #tpu.memory_space<hbm>>) target(%arg15 : memref<80xi32, #tpu.memory_space<vmem>>) target_semaphore(%arg28 : memref<!tpu.dma_semaphore, #tpu.memory_space<semaphore_mem>>)
      } else {
      }
      %lt3A_204 = arith.constant 125 : i32
      %lt3A_205 = arith.cmpi slt, %add3A_191, %lt3A_204 : i32
      %convert_element_type3A_206 = arith.extui %lt3A_205 : i1 to i32
      %cond3A_207 = arith.constant 0 : i32
      %cond3A_208 = arith.cmpi ne, %convert_element_type3A_206, %cond3A_207 : i32
      scf.if %cond3A_208 {
        %mul3A_277 = arith.constant 80 : i32
        %mul3A_278 = arith.muli %add3A_191, %mul3A_277 : i32
        %add3A_279 = arith.addi %mul3A_2, %mul3A_278 : i32
        %dma_wait3A_280 = tpu.memref_slice %arg3[%add3A_279] : memref<320000xi32, #tpu.memory_space<hbm>> -> memref<80xi32, #tpu.memory_space<hbm>>
        %dma_wait3A_281 = tpu.memref_slice %arg3[%add3A_279] : memref<320000xi32, #tpu.memory_space<hbm>> -> memref<80xi32, #tpu.memory_space<hbm>>
        tpu.wait_dma2 semaphore(%arg32 : memref<!tpu.dma_semaphore, #tpu.memory_space<semaphore_mem>>) src(%dma_wait3A_281 : memref<80xi32, #tpu.memory_space<hbm>>) dst(%arg11 : memref<80xi32, #tpu.memory_space<vmem>>)
        %dma_wait3A_282 = tpu.memref_slice %arg4[%add3A_279] : memref<320000xi32, #tpu.memory_space<hbm>> -> memref<80xi32, #tpu.memory_space<hbm>>
        %dma_wait3A_283 = tpu.memref_slice %arg4[%add3A_279] : memref<320000xi32, #tpu.memory_space<hbm>> -> memref<80xi32, #tpu.memory_space<hbm>>
        tpu.wait_dma2 semaphore(%arg32 : memref<!tpu.dma_semaphore, #tpu.memory_space<semaphore_mem>>) src(%dma_wait3A_283 : memref<80xi32, #tpu.memory_space<hbm>>) dst(%arg19 : memref<80xi32, #tpu.memory_space<vmem>>)
        %dma_start3A_284 = arith.constant 0 : i32
        %dma_start3A_285 = arith.constant 0 : i32
        %dma_start3A_286 = tpu.memref_slice %arg2[%dma_start3A_284, %dma_start3A_285] : memref<10000x128xf32, #tpu.memory_space<hbm>> -> memref<10000x128xf32, #tpu.memory_space<hbm>>
        tpu.enqueue_indirect_dma source(%dma_start3A_286 : memref<10000x128xf32, #tpu.memory_space<hbm>>) target(%arg23 : memref<80x128xf32, #tpu.memory_space<vmem>>) offsets(%arg11 : memref<80xi32, #tpu.memory_space<vmem>>) semaphore(%arg36 : memref<!tpu.dma_semaphore, #tpu.memory_space<semaphore_mem>>)
      } else {
      }
      %ge3A_209 = arith.constant 2 : i32
      %ge3A_210 = arith.cmpi sge, %add3A_191, %ge3A_209 : i32
      %sub3A_211 = arith.constant 2 : i32
      %sub3A_212 = arith.subi %add3A_191, %sub3A_211 : i32
      %lt3A_213 = arith.constant 125 : i32
      %lt3A_214 = arith.cmpi slt, %sub3A_212, %lt3A_213 : i32
      %and3A_215 = arith.andi %ge3A_210, %lt3A_214 : i1
      %convert_element_type3A_216 = arith.extui %and3A_215 : i1 to i32
      %cond3A_217 = arith.constant 0 : i32
      %cond3A_218 = arith.cmpi ne, %convert_element_type3A_216, %cond3A_217 : i32
      scf.if %cond3A_218 {
        %dma_wait3A_277 = arith.constant 0 : i32
        %dma_wait3A_278 = arith.constant 0 : i32
        %dma_wait3A_279 = tpu.memref_slice %arg2[%dma_wait3A_277, %dma_wait3A_278] : memref<10000x128xf32, #tpu.memory_space<hbm>> -> memref<10000x128xf32, #tpu.memory_space<hbm>>
        tpu.wait_indirect_dma semaphore(%arg38 : memref<!tpu.dma_semaphore, #tpu.memory_space<semaphore_mem>>) src(%dma_wait3A_279 : memref<10000x128xf32, #tpu.memory_space<hbm>>) dst(%arg25 : memref<80x128xf32, #tpu.memory_space<vmem>>)
        %dma_start3A_280 = arith.constant 0 : i32
        %dma_start3A_281 = arith.constant 0 : i32
        %dma_start3A_282 = tpu.memref_slice %arg26[%dma_start3A_280, %dma_start3A_281] : memref<10240x128xf32, #tpu.memory_space<vmem_shared>> -> memref<10240x128xf32, #tpu.memory_space<vmem_shared>>
        tpu.enqueue_indirect_dma source(%arg25 : memref<80x128xf32, #tpu.memory_space<vmem>>) target(%dma_start3A_282 : memref<10240x128xf32, #tpu.memory_space<vmem_shared>>) offsets(%arg17 : memref<80xi32, #tpu.memory_space<vmem>>) semaphore(%arg42 : memref<!tpu.dma_semaphore, #tpu.memory_space<semaphore_mem>>) {add = true}
      } else {
      }
      %add3A_219 = arith.constant 6 : i32
      %add3A_220 = arith.addi %add3A_48, %add3A_219 : i32
      %ge3A_221 = arith.constant 4 : i32
      %ge3A_222 = arith.cmpi sge, %add3A_220, %ge3A_221 : i32
      %convert_element_type3A_223 = arith.extui %ge3A_222 : i1 to i32
      %cond3A_224 = arith.constant 0 : i32
      %cond3A_225 = arith.cmpi ne, %convert_element_type3A_223, %cond3A_224 : i32
      scf.if %cond3A_225 {
        %dma_wait3A_277 = arith.constant 0 : i32
        %dma_wait3A_278 = arith.constant 0 : i32
        %dma_wait3A_279 = tpu.memref_slice %arg26[%dma_wait3A_277, %dma_wait3A_278] : memref<10240x128xf32, #tpu.memory_space<vmem_shared>> -> memref<10240x128xf32, #tpu.memory_space<vmem_shared>>
        tpu.wait_indirect_dma semaphore(%arg41 : memref<!tpu.dma_semaphore, #tpu.memory_space<semaphore_mem>>) src(%arg24 : memref<80x128xf32, #tpu.memory_space<vmem>>) dst(%dma_wait3A_279 : memref<10240x128xf32, #tpu.memory_space<vmem_shared>>)
      } else {
      }
      %add3A_226 = arith.constant 4 : i32
      %add3A_227 = arith.addi %add3A_220, %add3A_226 : i32
      %lt3A_228 = arith.constant 125 : i32
      %lt3A_229 = arith.cmpi slt, %add3A_227, %lt3A_228 : i32
      %convert_element_type3A_230 = arith.extui %lt3A_229 : i1 to i32
      %cond3A_231 = arith.constant 0 : i32
      %cond3A_232 = arith.cmpi ne, %convert_element_type3A_230, %cond3A_231 : i32
      scf.if %cond3A_232 {
        %add3A_277 = arith.constant 4 : i32
        %add3A_278 = arith.addi %add3A_220, %add3A_277 : i32
        %mul3A_279 = arith.constant 80 : i32
        %mul3A_280 = arith.muli %add3A_278, %mul3A_279 : i32
        %add3A_281 = arith.addi %mul3A_2, %mul3A_280 : i32
        %dma_start3A_282 = tpu.memref_slice %arg3[%add3A_281] : memref<320000xi32, #tpu.memory_space<hbm>> -> memref<80xi32, #tpu.memory_space<hbm>>
        %dma_start3A_283 = tpu.memref_slice %arg3[%add3A_281] : memref<320000xi32, #tpu.memory_space<hbm>> -> memref<80xi32, #tpu.memory_space<hbm>>
        tpu.enqueue_dma source(%dma_start3A_283 : memref<80xi32, #tpu.memory_space<hbm>>) target(%arg8 : memref<80xi32, #tpu.memory_space<vmem>>) target_semaphore(%arg29 : memref<!tpu.dma_semaphore, #tpu.memory_space<semaphore_mem>>)
        %dma_start3A_284 = tpu.memref_slice %arg4[%add3A_281] : memref<320000xi32, #tpu.memory_space<hbm>> -> memref<80xi32, #tpu.memory_space<hbm>>
        %dma_start3A_285 = tpu.memref_slice %arg4[%add3A_281] : memref<320000xi32, #tpu.memory_space<hbm>> -> memref<80xi32, #tpu.memory_space<hbm>>
        tpu.enqueue_dma source(%dma_start3A_285 : memref<80xi32, #tpu.memory_space<hbm>>) target(%arg16 : memref<80xi32, #tpu.memory_space<vmem>>) target_semaphore(%arg29 : memref<!tpu.dma_semaphore, #tpu.memory_space<semaphore_mem>>)
      } else {
      }
      %lt3A_233 = arith.constant 125 : i32
      %lt3A_234 = arith.cmpi slt, %add3A_220, %lt3A_233 : i32
      %convert_element_type3A_235 = arith.extui %lt3A_234 : i1 to i32
      %cond3A_236 = arith.constant 0 : i32
      %cond3A_237 = arith.cmpi ne, %convert_element_type3A_235, %cond3A_236 : i32
      scf.if %cond3A_237 {
        %mul3A_277 = arith.constant 80 : i32
        %mul3A_278 = arith.muli %add3A_220, %mul3A_277 : i32
        %add3A_279 = arith.addi %mul3A_2, %mul3A_278 : i32
        %dma_wait3A_280 = tpu.memref_slice %arg3[%add3A_279] : memref<320000xi32, #tpu.memory_space<hbm>> -> memref<80xi32, #tpu.memory_space<hbm>>
        %dma_wait3A_281 = tpu.memref_slice %arg3[%add3A_279] : memref<320000xi32, #tpu.memory_space<hbm>> -> memref<80xi32, #tpu.memory_space<hbm>>
        tpu.wait_dma2 semaphore(%arg33 : memref<!tpu.dma_semaphore, #tpu.memory_space<semaphore_mem>>) src(%dma_wait3A_281 : memref<80xi32, #tpu.memory_space<hbm>>) dst(%arg12 : memref<80xi32, #tpu.memory_space<vmem>>)
        %dma_wait3A_282 = tpu.memref_slice %arg4[%add3A_279] : memref<320000xi32, #tpu.memory_space<hbm>> -> memref<80xi32, #tpu.memory_space<hbm>>
        %dma_wait3A_283 = tpu.memref_slice %arg4[%add3A_279] : memref<320000xi32, #tpu.memory_space<hbm>> -> memref<80xi32, #tpu.memory_space<hbm>>
        tpu.wait_dma2 semaphore(%arg33 : memref<!tpu.dma_semaphore, #tpu.memory_space<semaphore_mem>>) src(%dma_wait3A_283 : memref<80xi32, #tpu.memory_space<hbm>>) dst(%arg20 : memref<80xi32, #tpu.memory_space<vmem>>)
        %dma_start3A_284 = arith.constant 0 : i32
        %dma_start3A_285 = arith.constant 0 : i32
        %dma_start3A_286 = tpu.memref_slice %arg2[%dma_start3A_284, %dma_start3A_285] : memref<10000x128xf32, #tpu.memory_space<hbm>> -> memref<10000x128xf32, #tpu.memory_space<hbm>>
        tpu.enqueue_indirect_dma source(%dma_start3A_286 : memref<10000x128xf32, #tpu.memory_space<hbm>>) target(%arg24 : memref<80x128xf32, #tpu.memory_space<vmem>>) offsets(%arg12 : memref<80xi32, #tpu.memory_space<vmem>>) semaphore(%arg37 : memref<!tpu.dma_semaphore, #tpu.memory_space<semaphore_mem>>)
      } else {
      }
      %ge3A_238 = arith.constant 2 : i32
      %ge3A_239 = arith.cmpi sge, %add3A_220, %ge3A_238 : i32
      %sub3A_240 = arith.constant 2 : i32
      %sub3A_241 = arith.subi %add3A_220, %sub3A_240 : i32
      %lt3A_242 = arith.constant 125 : i32
      %lt3A_243 = arith.cmpi slt, %sub3A_241, %lt3A_242 : i32
      %and3A_244 = arith.andi %ge3A_239, %lt3A_243 : i1
      %convert_element_type3A_245 = arith.extui %and3A_244 : i1 to i32
      %cond3A_246 = arith.constant 0 : i32
      %cond3A_247 = arith.cmpi ne, %convert_element_type3A_245, %cond3A_246 : i32
      scf.if %cond3A_247 {
        %dma_wait3A_277 = arith.constant 0 : i32
        %dma_wait3A_278 = arith.constant 0 : i32
        %dma_wait3A_279 = tpu.memref_slice %arg2[%dma_wait3A_277, %dma_wait3A_278] : memref<10000x128xf32, #tpu.memory_space<hbm>> -> memref<10000x128xf32, #tpu.memory_space<hbm>>
        tpu.wait_indirect_dma semaphore(%arg35 : memref<!tpu.dma_semaphore, #tpu.memory_space<semaphore_mem>>) src(%dma_wait3A_279 : memref<10000x128xf32, #tpu.memory_space<hbm>>) dst(%arg22 : memref<80x128xf32, #tpu.memory_space<vmem>>)
        %dma_start3A_280 = arith.constant 0 : i32
        %dma_start3A_281 = arith.constant 0 : i32
        %dma_start3A_282 = tpu.memref_slice %arg26[%dma_start3A_280, %dma_start3A_281] : memref<10240x128xf32, #tpu.memory_space<vmem_shared>> -> memref<10240x128xf32, #tpu.memory_space<vmem_shared>>
        tpu.enqueue_indirect_dma source(%arg22 : memref<80x128xf32, #tpu.memory_space<vmem>>) target(%dma_start3A_282 : memref<10240x128xf32, #tpu.memory_space<vmem_shared>>) offsets(%arg18 : memref<80xi32, #tpu.memory_space<vmem>>) semaphore(%arg39 : memref<!tpu.dma_semaphore, #tpu.memory_space<semaphore_mem>>) {add = true}
      } else {
      }
      %add3A_248 = arith.constant 7 : i32
      %add3A_249 = arith.addi %add3A_48, %add3A_248 : i32
      %ge3A_250 = arith.constant 4 : i32
      %ge3A_251 = arith.cmpi sge, %add3A_249, %ge3A_250 : i32
      %convert_element_type3A_252 = arith.extui %ge3A_251 : i1 to i32
      %cond3A_253 = arith.constant 0 : i32
      %cond3A_254 = arith.cmpi ne, %convert_element_type3A_252, %cond3A_253 : i32
      scf.if %cond3A_254 {
        %dma_wait3A_277 = arith.constant 0 : i32
        %dma_wait3A_278 = arith.constant 0 : i32
        %dma_wait3A_279 = tpu.memref_slice %arg26[%dma_wait3A_277, %dma_wait3A_278] : memref<10240x128xf32, #tpu.memory_space<vmem_shared>> -> memref<10240x128xf32, #tpu.memory_space<vmem_shared>>
        tpu.wait_indirect_dma semaphore(%arg42 : memref<!tpu.dma_semaphore, #tpu.memory_space<semaphore_mem>>) src(%arg25 : memref<80x128xf32, #tpu.memory_space<vmem>>) dst(%dma_wait3A_279 : memref<10240x128xf32, #tpu.memory_space<vmem_shared>>)
      } else {
      }
      %add3A_255 = arith.constant 4 : i32
      %add3A_256 = arith.addi %add3A_249, %add3A_255 : i32
      %lt3A_257 = arith.constant 125 : i32
      %lt3A_258 = arith.cmpi slt, %add3A_256, %lt3A_257 : i32
      %convert_element_type3A_259 = arith.extui %lt3A_258 : i1 to i32
      %cond3A_260 = arith.constant 0 : i32
      %cond3A_261 = arith.cmpi ne, %convert_element_type3A_259, %cond3A_260 : i32
      scf.if %cond3A_261 {
        %add3A_277 = arith.constant 4 : i32
        %add3A_278 = arith.addi %add3A_249, %add3A_277 : i32
        %mul3A_279 = arith.constant 80 : i32
        %mul3A_280 = arith.muli %add3A_278, %mul3A_279 : i32
        %add3A_281 = arith.addi %mul3A_2, %mul3A_280 : i32
        %dma_start3A_282 = tpu.memref_slice %arg3[%add3A_281] : memref<320000xi32, #tpu.memory_space<hbm>> -> memref<80xi32, #tpu.memory_space<hbm>>
        %dma_start3A_283 = tpu.memref_slice %arg3[%add3A_281] : memref<320000xi32, #tpu.memory_space<hbm>> -> memref<80xi32, #tpu.memory_space<hbm>>
        tpu.enqueue_dma source(%dma_start3A_283 : memref<80xi32, #tpu.memory_space<hbm>>) target(%arg9 : memref<80xi32, #tpu.memory_space<vmem>>) target_semaphore(%arg30 : memref<!tpu.dma_semaphore, #tpu.memory_space<semaphore_mem>>)
        %dma_start3A_284 = tpu.memref_slice %arg4[%add3A_281] : memref<320000xi32, #tpu.memory_space<hbm>> -> memref<80xi32, #tpu.memory_space<hbm>>
        %dma_start3A_285 = tpu.memref_slice %arg4[%add3A_281] : memref<320000xi32, #tpu.memory_space<hbm>> -> memref<80xi32, #tpu.memory_space<hbm>>
        tpu.enqueue_dma source(%dma_start3A_285 : memref<80xi32, #tpu.memory_space<hbm>>) target(%arg17 : memref<80xi32, #tpu.memory_space<vmem>>) target_semaphore(%arg30 : memref<!tpu.dma_semaphore, #tpu.memory_space<semaphore_mem>>)
      } else {
      }
      %lt3A_262 = arith.constant 125 : i32
      %lt3A_263 = arith.cmpi slt, %add3A_249, %lt3A_262 : i32
      %convert_element_type3A_264 = arith.extui %lt3A_263 : i1 to i32
      %cond3A_265 = arith.constant 0 : i32
      %cond3A_266 = arith.cmpi ne, %convert_element_type3A_264, %cond3A_265 : i32
      scf.if %cond3A_266 {
        %mul3A_277 = arith.constant 80 : i32
        %mul3A_278 = arith.muli %add3A_249, %mul3A_277 : i32
        %add3A_279 = arith.addi %mul3A_2, %mul3A_278 : i32
        %dma_wait3A_280 = tpu.memref_slice %arg3[%add3A_279] : memref<320000xi32, #tpu.memory_space<hbm>> -> memref<80xi32, #tpu.memory_space<hbm>>
        %dma_wait3A_281 = tpu.memref_slice %arg3[%add3A_279] : memref<320000xi32, #tpu.memory_space<hbm>> -> memref<80xi32, #tpu.memory_space<hbm>>
        tpu.wait_dma2 semaphore(%arg34 : memref<!tpu.dma_semaphore, #tpu.memory_space<semaphore_mem>>) src(%dma_wait3A_281 : memref<80xi32, #tpu.memory_space<hbm>>) dst(%arg13 : memref<80xi32, #tpu.memory_space<vmem>>)
        %dma_wait3A_282 = tpu.memref_slice %arg4[%add3A_279] : memref<320000xi32, #tpu.memory_space<hbm>> -> memref<80xi32, #tpu.memory_space<hbm>>
        %dma_wait3A_283 = tpu.memref_slice %arg4[%add3A_279] : memref<320000xi32, #tpu.memory_space<hbm>> -> memref<80xi32, #tpu.memory_space<hbm>>
        tpu.wait_dma2 semaphore(%arg34 : memref<!tpu.dma_semaphore, #tpu.memory_space<semaphore_mem>>) src(%dma_wait3A_283 : memref<80xi32, #tpu.memory_space<hbm>>) dst(%arg21 : memref<80xi32, #tpu.memory_space<vmem>>)
        %dma_start3A_284 = arith.constant 0 : i32
        %dma_start3A_285 = arith.constant 0 : i32
        %dma_start3A_286 = tpu.memref_slice %arg2[%dma_start3A_284, %dma_start3A_285] : memref<10000x128xf32, #tpu.memory_space<hbm>> -> memref<10000x128xf32, #tpu.memory_space<hbm>>
        tpu.enqueue_indirect_dma source(%dma_start3A_286 : memref<10000x128xf32, #tpu.memory_space<hbm>>) target(%arg25 : memref<80x128xf32, #tpu.memory_space<vmem>>) offsets(%arg13 : memref<80xi32, #tpu.memory_space<vmem>>) semaphore(%arg38 : memref<!tpu.dma_semaphore, #tpu.memory_space<semaphore_mem>>)
      } else {
      }
      %ge3A_267 = arith.constant 2 : i32
      %ge3A_268 = arith.cmpi sge, %add3A_249, %ge3A_267 : i32
      %sub3A_269 = arith.constant 2 : i32
      %sub3A_270 = arith.subi %add3A_249, %sub3A_269 : i32
      %lt3A_271 = arith.constant 125 : i32
      %lt3A_272 = arith.cmpi slt, %sub3A_270, %lt3A_271 : i32
      %and3A_273 = arith.andi %ge3A_268, %lt3A_272 : i1
      %convert_element_type3A_274 = arith.extui %and3A_273 : i1 to i32
      %cond3A_275 = arith.constant 0 : i32
      %cond3A_276 = arith.cmpi ne, %convert_element_type3A_274, %cond3A_275 : i32
      scf.if %cond3A_276 {
        %dma_wait3A_277 = arith.constant 0 : i32
        %dma_wait3A_278 = arith.constant 0 : i32
        %dma_wait3A_279 = tpu.memref_slice %arg2[%dma_wait3A_277, %dma_wait3A_278] : memref<10000x128xf32, #tpu.memory_space<hbm>> -> memref<10000x128xf32, #tpu.memory_space<hbm>>
        tpu.wait_indirect_dma semaphore(%arg36 : memref<!tpu.dma_semaphore, #tpu.memory_space<semaphore_mem>>) src(%dma_wait3A_279 : memref<10000x128xf32, #tpu.memory_space<hbm>>) dst(%arg23 : memref<80x128xf32, #tpu.memory_space<vmem>>)
        %dma_start3A_280 = arith.constant 0 : i32
        %dma_start3A_281 = arith.constant 0 : i32
        %dma_start3A_282 = tpu.memref_slice %arg26[%dma_start3A_280, %dma_start3A_281] : memref<10240x128xf32, #tpu.memory_space<vmem_shared>> -> memref<10240x128xf32, #tpu.memory_space<vmem_shared>>
        tpu.enqueue_indirect_dma source(%arg23 : memref<80x128xf32, #tpu.memory_space<vmem>>) target(%dma_start3A_282 : memref<10240x128xf32, #tpu.memory_space<vmem_shared>>) offsets(%arg19 : memref<80xi32, #tpu.memory_space<vmem>>) semaphore(%arg40 : memref<!tpu.dma_semaphore, #tpu.memory_space<semaphore_mem>>) {add = true}
      } else {
      }
    }
    %scan3A_36 = arith.constant 16 : i32
    %dma_wait3A = arith.constant 0 : i32
    %dma_wait3A_37 = arith.constant 0 : i32
    %dma_wait3A_38 = tpu.memref_slice %arg26[%dma_wait3A, %dma_wait3A_37] : memref<10240x128xf32, #tpu.memory_space<vmem_shared>> -> memref<10240x128xf32, #tpu.memory_space<vmem_shared>>
    tpu.wait_indirect_dma semaphore(%arg39 : memref<!tpu.dma_semaphore, #tpu.memory_space<semaphore_mem>>) src(%arg22 : memref<80x128xf32, #tpu.memory_space<vmem>>) dst(%dma_wait3A_38 : memref<10240x128xf32, #tpu.memory_space<vmem_shared>>)
    %barrier3A_39 = arith.constant 0 : index
    tpu.barrier barrier_id(%barrier3A_39)
    %mul3A_40 = arith.constant 640 : i32
    %mul3A_41 = arith.muli %arg1, %mul3A_40 : i32
    %mul3A_42 = arith.constant 640 : i32
    %mul3A_43 = arith.muli %arg1, %mul3A_42 : i32
    "tpu.region"() ({
      %run_scoped3A = tpu.sem_alloc : memref<!tpu.dma_semaphore, #tpu.memory_space<semaphore_mem>>
      %dma_start3A_44 = arith.constant 0 : i32
      %dma_start3A_45 = tpu.memref_slice %arg5[%arg0, %mul3A_43, %dma_start3A_44] : memref<2x10240x128xf32, #tpu.memory_space<hbm>> -> memref<1x640x128xf32, #tpu.memory_space<hbm>>
      %dma_start3A_46 = tpu.memref_squeeze %dma_start3A_45 : memref<1x640x128xf32, #tpu.memory_space<hbm>> -> memref<640x128xf32, #tpu.memory_space<hbm>>
      %dma_start3A_47 = arith.constant 0 : i32
      %dma_start3A_48 = tpu.memref_slice %arg26[%mul3A_41, %dma_start3A_47] : memref<10240x128xf32, #tpu.memory_space<vmem_shared>> -> memref<640x128xf32, #tpu.memory_space<vmem_shared>>
      tpu.enqueue_dma source(%dma_start3A_48 : memref<640x128xf32, #tpu.memory_space<vmem_shared>>) target(%dma_start3A_46 : memref<640x128xf32, #tpu.memory_space<hbm>>) target_semaphore(%run_scoped3A : memref<!tpu.dma_semaphore, #tpu.memory_space<semaphore_mem>>)
      %dma_wait3A_49 = arith.constant 0 : i32
      %dma_wait3A_50 = tpu.memref_slice %arg5[%arg0, %mul3A_43, %dma_wait3A_49] : memref<2x10240x128xf32, #tpu.memory_space<hbm>> -> memref<1x640x128xf32, #tpu.memory_space<hbm>>
      %dma_wait3A_51 = tpu.memref_squeeze %dma_wait3A_50 : memref<1x640x128xf32, #tpu.memory_space<hbm>> -> memref<640x128xf32, #tpu.memory_space<hbm>>
      %dma_wait3A_52 = arith.constant 0 : i32
      %dma_wait3A_53 = tpu.memref_slice %arg26[%mul3A_41, %dma_wait3A_52] : memref<10240x128xf32, #tpu.memory_space<vmem_shared>> -> memref<640x128xf32, #tpu.memory_space<vmem_shared>>
      tpu.wait_dma2 semaphore(%run_scoped3A : memref<!tpu.dma_semaphore, #tpu.memory_space<semaphore_mem>>) src(%dma_wait3A_53 : memref<640x128xf32, #tpu.memory_space<vmem_shared>>) dst(%dma_wait3A_51 : memref<640x128xf32, #tpu.memory_space<hbm>>)
      tpu.yield
    }) : () -> ()
    return
  }
}

#map = affine_map<(d0, d1) -> (0)>
#map1 = affine_map<(d0, d1) -> (0, 0)>
module attributes {stable_mosaic.version = 14 : i64} {
  func.func @deg(%arg0: i32, %arg1: i32, %arg2: memref<320000xi32, #tpu.memory_space<hbm>>, %arg3: memref<2x10240xf32, #tpu.memory_space<hbm>>, %arg4: memref<80xi32, #tpu.memory_space<vmem>>, %arg5: memref<80xi32, #tpu.memory_space<vmem>>, %arg6: memref<80xi32, #tpu.memory_space<vmem>>, %arg7: memref<80xi32, #tpu.memory_space<vmem>>, %arg8: memref<80xf32, #tpu.memory_space<vmem>>, %arg9: memref<640xf32, #tpu.memory_space<vmem>>, %arg10: memref<10240xf32, #tpu.memory_space<vmem_shared>>, %arg11: memref<!tpu.dma_semaphore, #tpu.memory_space<semaphore_mem>>, %arg12: memref<!tpu.dma_semaphore, #tpu.memory_space<semaphore_mem>>, %arg13: memref<!tpu.dma_semaphore, #tpu.memory_space<semaphore_mem>>, %arg14: memref<!tpu.dma_semaphore, #tpu.memory_space<semaphore_mem>>, %arg15: memref<!tpu.dma_semaphore, #tpu.memory_space<semaphore_mem>>, %arg16: memref<!tpu.dma_semaphore, #tpu.memory_space<semaphore_mem>>) attributes {dimension_semantics = [#tpu.dimension_semantics<core_parallel>, #tpu.dimension_semantics<subcore_parallel>], iteration_bounds = array<i64: 2, 16>, scalar_prefetch = 0 : i64, scratch_operands = 13 : i64, tpu.core_type = #tpu.core_type<sc_vector_subcore>, window_params = [{transform_indices = #map}, {transform_indices = #map1}]} {
    %mul3A = arith.constant 2 : i32
    %mul3A_0 = arith.muli %arg1, %mul3A : i32
    %add3A = arith.addi %mul3A_0, %arg0 : i32
    %mul3A_1 = arith.constant 10000 : i32
    %mul3A_2 = arith.muli %add3A, %mul3A_1 : i32
    %scan3A = arith.constant 0 : i32
    %scan3A_3 = arith.constant 5 : i32
    %scan3A_4 = arith.addi %scan3A, %scan3A_3 : i32
    %scan3A_5 = arith.constant 1 : i32
    scf.for %scan3A_42 = %scan3A to %scan3A_4 step %scan3A_5  : i32 {
      %mul3A_43 = arith.constant 16 : i32
      %mul3A_44 = arith.muli %scan3A_42, %mul3A_43 : i32
      %add3A_45 = arith.constant 0 : i32
      %add3A_46 = arith.addi %add3A_45, %mul3A_44 : i32
      %broadcast_in_dim3A = arith.constant 1.000000e+00 : f32
      %broadcast_in_dim3A_47 = vector.broadcast %broadcast_in_dim3A : f32 to vector<16xf32>
      %swap3A = arith.index_cast %add3A_46 : i32 to index
      %swap3A_48 = tpu.vector_load %arg8[%swap3A] {strides = array<i32>} : memref<80xf32, #tpu.memory_space<vmem>>, vector<16xf32>,
      %swap3A_49 = vector.shape_cast %swap3A_48 : vector<16xf32> to vector<16xf32>
      %swap3A_50 = vector.shape_cast %broadcast_in_dim3A_47 : vector<16xf32> to vector<16xf32>
      tpu.vector_store %arg8[%swap3A], %swap3A_50 {strides = array<i32>} : memref<80xf32, #tpu.memory_space<vmem>>, vector<16xf32>,
    }
    %scan3A_6 = arith.constant 5 : i32
    %scan3A_7 = arith.constant 0 : i32
    %scan3A_8 = arith.constant 40 : i32
    %scan3A_9 = arith.addi %scan3A_7, %scan3A_8 : i32
    %scan3A_10 = arith.constant 1 : i32
    scf.for %scan3A_42 = %scan3A_7 to %scan3A_9 step %scan3A_10  : i32 {
      %mul3A_43 = arith.constant 16 : i32
      %mul3A_44 = arith.muli %scan3A_42, %mul3A_43 : i32
      %add3A_45 = arith.constant 0 : i32
      %add3A_46 = arith.addi %add3A_45, %mul3A_44 : i32
      %broadcast_in_dim3A = arith.constant 0.000000e+00 : f32
      %broadcast_in_dim3A_47 = vector.broadcast %broadcast_in_dim3A : f32 to vector<16xf32>
      %swap3A = arith.index_cast %add3A_46 : i32 to index
      %swap3A_48 = tpu.vector_load %arg9[%swap3A] {strides = array<i32>} : memref<640xf32, #tpu.memory_space<vmem>>, vector<16xf32>,
      %swap3A_49 = vector.shape_cast %swap3A_48 : vector<16xf32> to vector<16xf32>
      %swap3A_50 = vector.shape_cast %broadcast_in_dim3A_47 : vector<16xf32> to vector<16xf32>
      tpu.vector_store %arg9[%swap3A], %swap3A_50 {strides = array<i32>} : memref<640xf32, #tpu.memory_space<vmem>>, vector<16xf32>,
    }
    %scan3A_11 = arith.constant 40 : i32
    %mul3A_12 = arith.constant 640 : i32
    %mul3A_13 = arith.muli %arg1, %mul3A_12 : i32
    "tpu.region"() ({
      %run_scoped3A = tpu.sem_alloc : memref<!tpu.dma_semaphore, #tpu.memory_space<semaphore_mem>>
      %dma_start3A_42 = tpu.memref_slice %arg10[%mul3A_13] : memref<10240xf32, #tpu.memory_space<vmem_shared>> -> memref<640xf32, #tpu.memory_space<vmem_shared>>
      %dma_start3A_43 = tpu.memref_slice %arg10[%mul3A_13] : memref<10240xf32, #tpu.memory_space<vmem_shared>> -> memref<640xf32, #tpu.memory_space<vmem_shared>>
      tpu.enqueue_dma source(%arg9 : memref<640xf32, #tpu.memory_space<vmem>>) target(%dma_start3A_43 : memref<640xf32, #tpu.memory_space<vmem_shared>>) target_semaphore(%run_scoped3A : memref<!tpu.dma_semaphore, #tpu.memory_space<semaphore_mem>>)
      %dma_wait3A_44 = tpu.memref_slice %arg10[%mul3A_13] : memref<10240xf32, #tpu.memory_space<vmem_shared>> -> memref<640xf32, #tpu.memory_space<vmem_shared>>
      %dma_wait3A_45 = tpu.memref_slice %arg10[%mul3A_13] : memref<10240xf32, #tpu.memory_space<vmem_shared>> -> memref<640xf32, #tpu.memory_space<vmem_shared>>
      tpu.wait_dma2 semaphore(%run_scoped3A : memref<!tpu.dma_semaphore, #tpu.memory_space<semaphore_mem>>) src(%arg9 : memref<640xf32, #tpu.memory_space<vmem>>) dst(%dma_wait3A_45 : memref<640xf32, #tpu.memory_space<vmem_shared>>)
      tpu.yield
    }) : () -> ()
    %barrier3A = arith.constant 0 : index
    tpu.barrier barrier_id(%barrier3A)
    %add3A_14 = arith.constant 0 : i32
    %add3A_15 = arith.addi %mul3A_2, %add3A_14 : i32
    %dma_start3A = tpu.memref_slice %arg2[%add3A_15] : memref<320000xi32, #tpu.memory_space<hbm>> -> memref<80xi32, #tpu.memory_space<hbm>>
    %dma_start3A_16 = tpu.memref_slice %arg2[%add3A_15] : memref<320000xi32, #tpu.memory_space<hbm>> -> memref<80xi32, #tpu.memory_space<hbm>>
    tpu.enqueue_dma source(%dma_start3A_16 : memref<80xi32, #tpu.memory_space<hbm>>) target(%arg4 : memref<80xi32, #tpu.memory_space<vmem>>) target_semaphore(%arg11 : memref<!tpu.dma_semaphore, #tpu.memory_space<semaphore_mem>>)
    %add3A_17 = arith.constant 80 : i32
    %add3A_18 = arith.addi %mul3A_2, %add3A_17 : i32
    %dma_start3A_19 = tpu.memref_slice %arg2[%add3A_18] : memref<320000xi32, #tpu.memory_space<hbm>> -> memref<80xi32, #tpu.memory_space<hbm>>
    %dma_start3A_20 = tpu.memref_slice %arg2[%add3A_18] : memref<320000xi32, #tpu.memory_space<hbm>> -> memref<80xi32, #tpu.memory_space<hbm>>
    tpu.enqueue_dma source(%dma_start3A_20 : memref<80xi32, #tpu.memory_space<hbm>>) target(%arg5 : memref<80xi32, #tpu.memory_space<vmem>>) target_semaphore(%arg12 : memref<!tpu.dma_semaphore, #tpu.memory_space<semaphore_mem>>)
    %scan3A_21 = arith.constant 0 : i32
    %scan3A_22 = arith.constant 31 : i32
    %scan3A_23 = arith.addi %scan3A_21, %scan3A_22 : i32
    %scan3A_24 = arith.constant 1 : i32
    scf.for %scan3A_42 = %scan3A_21 to %scan3A_23 step %scan3A_24  : i32 {
      %mul3A_43 = arith.constant 4 : i32
      %mul3A_44 = arith.muli %scan3A_42, %mul3A_43 : i32
      %add3A_45 = arith.constant 0 : i32
      %add3A_46 = arith.addi %add3A_45, %mul3A_44 : i32
      %ge3A = arith.constant 2 : i32
      %ge3A_47 = arith.cmpi sge, %add3A_46, %ge3A : i32
      %convert_element_type3A = arith.extui %ge3A_47 : i1 to i32
      %cond3A = arith.constant 0 : i32
      %cond3A_48 = arith.cmpi ne, %convert_element_type3A, %cond3A : i32
      scf.if %cond3A_48 {
        %dma_wait3A_125 = arith.constant 0 : i32
        %dma_wait3A_126 = tpu.memref_slice %arg10[%dma_wait3A_125] : memref<10240xf32, #tpu.memory_space<vmem_shared>> -> memref<10240xf32, #tpu.memory_space<vmem_shared>>
        tpu.wait_indirect_dma semaphore(%arg15 : memref<!tpu.dma_semaphore, #tpu.memory_space<semaphore_mem>>) src(%arg8 : memref<80xf32, #tpu.memory_space<vmem>>) dst(%dma_wait3A_126 : memref<10240xf32, #tpu.memory_space<vmem_shared>>)
      } else {
      }
      %add3A_49 = arith.constant 2 : i32
      %add3A_50 = arith.addi %add3A_46, %add3A_49 : i32
      %lt3A = arith.constant 125 : i32
      %lt3A_51 = arith.cmpi slt, %add3A_50, %lt3A : i32
      %convert_element_type3A_52 = arith.extui %lt3A_51 : i1 to i32
      %cond3A_53 = arith.constant 0 : i32
      %cond3A_54 = arith.cmpi ne, %convert_element_type3A_52, %cond3A_53 : i32
      scf.if %cond3A_54 {
        %add3A_125 = arith.constant 2 : i32
        %add3A_126 = arith.addi %add3A_46, %add3A_125 : i32
        %mul3A_127 = arith.constant 80 : i32
        %mul3A_128 = arith.muli %add3A_126, %mul3A_127 : i32
        %add3A_129 = arith.addi %mul3A_2, %mul3A_128 : i32
        %dma_start3A_130 = tpu.memref_slice %arg2[%add3A_129] : memref<320000xi32, #tpu.memory_space<hbm>> -> memref<80xi32, #tpu.memory_space<hbm>>
        %dma_start3A_131 = tpu.memref_slice %arg2[%add3A_129] : memref<320000xi32, #tpu.memory_space<hbm>> -> memref<80xi32, #tpu.memory_space<hbm>>
        tpu.enqueue_dma source(%dma_start3A_131 : memref<80xi32, #tpu.memory_space<hbm>>) target(%arg6 : memref<80xi32, #tpu.memory_space<vmem>>) target_semaphore(%arg13 : memref<!tpu.dma_semaphore, #tpu.memory_space<semaphore_mem>>)
      } else {
      }
      %mul3A_55 = arith.constant 80 : i32
      %mul3A_56 = arith.muli %add3A_46, %mul3A_55 : i32
      %add3A_57 = arith.addi %mul3A_2, %mul3A_56 : i32
      %dma_wait3A_58 = tpu.memref_slice %arg2[%add3A_57] : memref<320000xi32, #tpu.memory_space<hbm>> -> memref<80xi32, #tpu.memory_space<hbm>>
      %dma_wait3A_59 = tpu.memref_slice %arg2[%add3A_57] : memref<320000xi32, #tpu.memory_space<hbm>> -> memref<80xi32, #tpu.memory_space<hbm>>
      tpu.wait_dma2 semaphore(%arg11 : memref<!tpu.dma_semaphore, #tpu.memory_space<semaphore_mem>>) src(%dma_wait3A_59 : memref<80xi32, #tpu.memory_space<hbm>>) dst(%arg4 : memref<80xi32, #tpu.memory_space<vmem>>)
      %dma_start3A_60 = arith.constant 0 : i32
      %dma_start3A_61 = tpu.memref_slice %arg10[%dma_start3A_60] : memref<10240xf32, #tpu.memory_space<vmem_shared>> -> memref<10240xf32, #tpu.memory_space<vmem_shared>>
      tpu.enqueue_indirect_dma source(%arg8 : memref<80xf32, #tpu.memory_space<vmem>>) target(%dma_start3A_61 : memref<10240xf32, #tpu.memory_space<vmem_shared>>) offsets(%arg4 : memref<80xi32, #tpu.memory_space<vmem>>) semaphore(%arg15 : memref<!tpu.dma_semaphore, #tpu.memory_space<semaphore_mem>>) {add = true}
      %add3A_62 = arith.constant 1 : i32
      %add3A_63 = arith.addi %add3A_46, %add3A_62 : i32
      %ge3A_64 = arith.constant 2 : i32
      %ge3A_65 = arith.cmpi sge, %add3A_63, %ge3A_64 : i32
      %convert_element_type3A_66 = arith.extui %ge3A_65 : i1 to i32
      %cond3A_67 = arith.constant 0 : i32
      %cond3A_68 = arith.cmpi ne, %convert_element_type3A_66, %cond3A_67 : i32
      scf.if %cond3A_68 {
        %dma_wait3A_125 = arith.constant 0 : i32
        %dma_wait3A_126 = tpu.memref_slice %arg10[%dma_wait3A_125] : memref<10240xf32, #tpu.memory_space<vmem_shared>> -> memref<10240xf32, #tpu.memory_space<vmem_shared>>
        tpu.wait_indirect_dma semaphore(%arg16 : memref<!tpu.dma_semaphore, #tpu.memory_space<semaphore_mem>>) src(%arg8 : memref<80xf32, #tpu.memory_space<vmem>>) dst(%dma_wait3A_126 : memref<10240xf32, #tpu.memory_space<vmem_shared>>)
      } else {
      }
      %add3A_69 = arith.constant 2 : i32
      %add3A_70 = arith.addi %add3A_63, %add3A_69 : i32
      %lt3A_71 = arith.constant 125 : i32
      %lt3A_72 = arith.cmpi slt, %add3A_70, %lt3A_71 : i32
      %convert_element_type3A_73 = arith.extui %lt3A_72 : i1 to i32
      %cond3A_74 = arith.constant 0 : i32
      %cond3A_75 = arith.cmpi ne, %convert_element_type3A_73, %cond3A_74 : i32
      scf.if %cond3A_75 {
        %add3A_125 = arith.constant 2 : i32
        %add3A_126 = arith.addi %add3A_63, %add3A_125 : i32
        %mul3A_127 = arith.constant 80 : i32
        %mul3A_128 = arith.muli %add3A_126, %mul3A_127 : i32
        %add3A_129 = arith.addi %mul3A_2, %mul3A_128 : i32
        %dma_start3A_130 = tpu.memref_slice %arg2[%add3A_129] : memref<320000xi32, #tpu.memory_space<hbm>> -> memref<80xi32, #tpu.memory_space<hbm>>
        %dma_start3A_131 = tpu.memref_slice %arg2[%add3A_129] : memref<320000xi32, #tpu.memory_space<hbm>> -> memref<80xi32, #tpu.memory_space<hbm>>
        tpu.enqueue_dma source(%dma_start3A_131 : memref<80xi32, #tpu.memory_space<hbm>>) target(%arg7 : memref<80xi32, #tpu.memory_space<vmem>>) target_semaphore(%arg14 : memref<!tpu.dma_semaphore, #tpu.memory_space<semaphore_mem>>)
      } else {
      }
      %mul3A_76 = arith.constant 80 : i32
      %mul3A_77 = arith.muli %add3A_63, %mul3A_76 : i32
      %add3A_78 = arith.addi %mul3A_2, %mul3A_77 : i32
      %dma_wait3A_79 = tpu.memref_slice %arg2[%add3A_78] : memref<320000xi32, #tpu.memory_space<hbm>> -> memref<80xi32, #tpu.memory_space<hbm>>
      %dma_wait3A_80 = tpu.memref_slice %arg2[%add3A_78] : memref<320000xi32, #tpu.memory_space<hbm>> -> memref<80xi32, #tpu.memory_space<hbm>>
      tpu.wait_dma2 semaphore(%arg12 : memref<!tpu.dma_semaphore, #tpu.memory_space<semaphore_mem>>) src(%dma_wait3A_80 : memref<80xi32, #tpu.memory_space<hbm>>) dst(%arg5 : memref<80xi32, #tpu.memory_space<vmem>>)
      %dma_start3A_81 = arith.constant 0 : i32
      %dma_start3A_82 = tpu.memref_slice %arg10[%dma_start3A_81] : memref<10240xf32, #tpu.memory_space<vmem_shared>> -> memref<10240xf32, #tpu.memory_space<vmem_shared>>
      tpu.enqueue_indirect_dma source(%arg8 : memref<80xf32, #tpu.memory_space<vmem>>) target(%dma_start3A_82 : memref<10240xf32, #tpu.memory_space<vmem_shared>>) offsets(%arg5 : memref<80xi32, #tpu.memory_space<vmem>>) semaphore(%arg16 : memref<!tpu.dma_semaphore, #tpu.memory_space<semaphore_mem>>) {add = true}
      %add3A_83 = arith.constant 2 : i32
      %add3A_84 = arith.addi %add3A_46, %add3A_83 : i32
      %ge3A_85 = arith.constant 2 : i32
      %ge3A_86 = arith.cmpi sge, %add3A_84, %ge3A_85 : i32
      %convert_element_type3A_87 = arith.extui %ge3A_86 : i1 to i32
      %cond3A_88 = arith.constant 0 : i32
      %cond3A_89 = arith.cmpi ne, %convert_element_type3A_87, %cond3A_88 : i32
      scf.if %cond3A_89 {
        %dma_wait3A_125 = arith.constant 0 : i32
        %dma_wait3A_126 = tpu.memref_slice %arg10[%dma_wait3A_125] : memref<10240xf32, #tpu.memory_space<vmem_shared>> -> memref<10240xf32, #tpu.memory_space<vmem_shared>>
        tpu.wait_indirect_dma semaphore(%arg15 : memref<!tpu.dma_semaphore, #tpu.memory_space<semaphore_mem>>) src(%arg8 : memref<80xf32, #tpu.memory_space<vmem>>) dst(%dma_wait3A_126 : memref<10240xf32, #tpu.memory_space<vmem_shared>>)
      } else {
      }
      %add3A_90 = arith.constant 2 : i32
      %add3A_91 = arith.addi %add3A_84, %add3A_90 : i32
      %lt3A_92 = arith.constant 125 : i32
      %lt3A_93 = arith.cmpi slt, %add3A_91, %lt3A_92 : i32
      %convert_element_type3A_94 = arith.extui %lt3A_93 : i1 to i32
      %cond3A_95 = arith.constant 0 : i32
      %cond3A_96 = arith.cmpi ne, %convert_element_type3A_94, %cond3A_95 : i32
      scf.if %cond3A_96 {
        %add3A_125 = arith.constant 2 : i32
        %add3A_126 = arith.addi %add3A_84, %add3A_125 : i32
        %mul3A_127 = arith.constant 80 : i32
        %mul3A_128 = arith.muli %add3A_126, %mul3A_127 : i32
        %add3A_129 = arith.addi %mul3A_2, %mul3A_128 : i32
        %dma_start3A_130 = tpu.memref_slice %arg2[%add3A_129] : memref<320000xi32, #tpu.memory_space<hbm>> -> memref<80xi32, #tpu.memory_space<hbm>>
        %dma_start3A_131 = tpu.memref_slice %arg2[%add3A_129] : memref<320000xi32, #tpu.memory_space<hbm>> -> memref<80xi32, #tpu.memory_space<hbm>>
        tpu.enqueue_dma source(%dma_start3A_131 : memref<80xi32, #tpu.memory_space<hbm>>) target(%arg4 : memref<80xi32, #tpu.memory_space<vmem>>) target_semaphore(%arg11 : memref<!tpu.dma_semaphore, #tpu.memory_space<semaphore_mem>>)
      } else {
      }
      %mul3A_97 = arith.constant 80 : i32
      %mul3A_98 = arith.muli %add3A_84, %mul3A_97 : i32
      %add3A_99 = arith.addi %mul3A_2, %mul3A_98 : i32
      %dma_wait3A_100 = tpu.memref_slice %arg2[%add3A_99] : memref<320000xi32, #tpu.memory_space<hbm>> -> memref<80xi32, #tpu.memory_space<hbm>>
      %dma_wait3A_101 = tpu.memref_slice %arg2[%add3A_99] : memref<320000xi32, #tpu.memory_space<hbm>> -> memref<80xi32, #tpu.memory_space<hbm>>
      tpu.wait_dma2 semaphore(%arg13 : memref<!tpu.dma_semaphore, #tpu.memory_space<semaphore_mem>>) src(%dma_wait3A_101 : memref<80xi32, #tpu.memory_space<hbm>>) dst(%arg6 : memref<80xi32, #tpu.memory_space<vmem>>)
      %dma_start3A_102 = arith.constant 0 : i32
      %dma_start3A_103 = tpu.memref_slice %arg10[%dma_start3A_102] : memref<10240xf32, #tpu.memory_space<vmem_shared>> -> memref<10240xf32, #tpu.memory_space<vmem_shared>>
      tpu.enqueue_indirect_dma source(%arg8 : memref<80xf32, #tpu.memory_space<vmem>>) target(%dma_start3A_103 : memref<10240xf32, #tpu.memory_space<vmem_shared>>) offsets(%arg6 : memref<80xi32, #tpu.memory_space<vmem>>) semaphore(%arg15 : memref<!tpu.dma_semaphore, #tpu.memory_space<semaphore_mem>>) {add = true}
      %add3A_104 = arith.constant 3 : i32
      %add3A_105 = arith.addi %add3A_46, %add3A_104 : i32
      %ge3A_106 = arith.constant 2 : i32
      %ge3A_107 = arith.cmpi sge, %add3A_105, %ge3A_106 : i32
      %convert_element_type3A_108 = arith.extui %ge3A_107 : i1 to i32
      %cond3A_109 = arith.constant 0 : i32
      %cond3A_110 = arith.cmpi ne, %convert_element_type3A_108, %cond3A_109 : i32
      scf.if %cond3A_110 {
        %dma_wait3A_125 = arith.constant 0 : i32
        %dma_wait3A_126 = tpu.memref_slice %arg10[%dma_wait3A_125] : memref<10240xf32, #tpu.memory_space<vmem_shared>> -> memref<10240xf32, #tpu.memory_space<vmem_shared>>
        tpu.wait_indirect_dma semaphore(%arg16 : memref<!tpu.dma_semaphore, #tpu.memory_space<semaphore_mem>>) src(%arg8 : memref<80xf32, #tpu.memory_space<vmem>>) dst(%dma_wait3A_126 : memref<10240xf32, #tpu.memory_space<vmem_shared>>)
      } else {
      }
      %add3A_111 = arith.constant 2 : i32
      %add3A_112 = arith.addi %add3A_105, %add3A_111 : i32
      %lt3A_113 = arith.constant 125 : i32
      %lt3A_114 = arith.cmpi slt, %add3A_112, %lt3A_113 : i32
      %convert_element_type3A_115 = arith.extui %lt3A_114 : i1 to i32
      %cond3A_116 = arith.constant 0 : i32
      %cond3A_117 = arith.cmpi ne, %convert_element_type3A_115, %cond3A_116 : i32
      scf.if %cond3A_117 {
        %add3A_125 = arith.constant 2 : i32
        %add3A_126 = arith.addi %add3A_105, %add3A_125 : i32
        %mul3A_127 = arith.constant 80 : i32
        %mul3A_128 = arith.muli %add3A_126, %mul3A_127 : i32
        %add3A_129 = arith.addi %mul3A_2, %mul3A_128 : i32
        %dma_start3A_130 = tpu.memref_slice %arg2[%add3A_129] : memref<320000xi32, #tpu.memory_space<hbm>> -> memref<80xi32, #tpu.memory_space<hbm>>
        %dma_start3A_131 = tpu.memref_slice %arg2[%add3A_129] : memref<320000xi32, #tpu.memory_space<hbm>> -> memref<80xi32, #tpu.memory_space<hbm>>
        tpu.enqueue_dma source(%dma_start3A_131 : memref<80xi32, #tpu.memory_space<hbm>>) target(%arg5 : memref<80xi32, #tpu.memory_space<vmem>>) target_semaphore(%arg12 : memref<!tpu.dma_semaphore, #tpu.memory_space<semaphore_mem>>)
      } else {
      }
      %mul3A_118 = arith.constant 80 : i32
      %mul3A_119 = arith.muli %add3A_105, %mul3A_118 : i32
      %add3A_120 = arith.addi %mul3A_2, %mul3A_119 : i32
      %dma_wait3A_121 = tpu.memref_slice %arg2[%add3A_120] : memref<320000xi32, #tpu.memory_space<hbm>> -> memref<80xi32, #tpu.memory_space<hbm>>
      %dma_wait3A_122 = tpu.memref_slice %arg2[%add3A_120] : memref<320000xi32, #tpu.memory_space<hbm>> -> memref<80xi32, #tpu.memory_space<hbm>>
      tpu.wait_dma2 semaphore(%arg14 : memref<!tpu.dma_semaphore, #tpu.memory_space<semaphore_mem>>) src(%dma_wait3A_122 : memref<80xi32, #tpu.memory_space<hbm>>) dst(%arg7 : memref<80xi32, #tpu.memory_space<vmem>>)
      %dma_start3A_123 = arith.constant 0 : i32
      %dma_start3A_124 = tpu.memref_slice %arg10[%dma_start3A_123] : memref<10240xf32, #tpu.memory_space<vmem_shared>> -> memref<10240xf32, #tpu.memory_space<vmem_shared>>
      tpu.enqueue_indirect_dma source(%arg8 : memref<80xf32, #tpu.memory_space<vmem>>) target(%dma_start3A_124 : memref<10240xf32, #tpu.memory_space<vmem_shared>>) offsets(%arg7 : memref<80xi32, #tpu.memory_space<vmem>>) semaphore(%arg16 : memref<!tpu.dma_semaphore, #tpu.memory_space<semaphore_mem>>) {add = true}
    }
    %scan3A_25 = arith.constant 31 : i32
    %dma_wait3A = arith.constant 0 : i32
    %dma_wait3A_26 = tpu.memref_slice %arg10[%dma_wait3A] : memref<10240xf32, #tpu.memory_space<vmem_shared>> -> memref<10240xf32, #tpu.memory_space<vmem_shared>>
    tpu.wait_indirect_dma semaphore(%arg15 : memref<!tpu.dma_semaphore, #tpu.memory_space<semaphore_mem>>) src(%arg8 : memref<80xf32, #tpu.memory_space<vmem>>) dst(%dma_wait3A_26 : memref<10240xf32, #tpu.memory_space<vmem_shared>>)
    %add3A_27 = arith.constant 9920 : i32
    %add3A_28 = arith.addi %mul3A_2, %add3A_27 : i32
    %dma_wait3A_29 = tpu.memref_slice %arg2[%add3A_28] : memref<320000xi32, #tpu.memory_space<hbm>> -> memref<80xi32, #tpu.memory_space<hbm>>
    %dma_wait3A_30 = tpu.memref_slice %arg2[%add3A_28] : memref<320000xi32, #tpu.memory_space<hbm>> -> memref<80xi32, #tpu.memory_space<hbm>>
    tpu.wait_dma2 semaphore(%arg11 : memref<!tpu.dma_semaphore, #tpu.memory_space<semaphore_mem>>) src(%dma_wait3A_30 : memref<80xi32, #tpu.memory_space<hbm>>) dst(%arg4 : memref<80xi32, #tpu.memory_space<vmem>>)
    %dma_start3A_31 = arith.constant 0 : i32
    %dma_start3A_32 = tpu.memref_slice %arg10[%dma_start3A_31] : memref<10240xf32, #tpu.memory_space<vmem_shared>> -> memref<10240xf32, #tpu.memory_space<vmem_shared>>
    tpu.enqueue_indirect_dma source(%arg8 : memref<80xf32, #tpu.memory_space<vmem>>) target(%dma_start3A_32 : memref<10240xf32, #tpu.memory_space<vmem_shared>>) offsets(%arg4 : memref<80xi32, #tpu.memory_space<vmem>>) semaphore(%arg15 : memref<!tpu.dma_semaphore, #tpu.memory_space<semaphore_mem>>) {add = true}
    %dma_wait3A_33 = arith.constant 0 : i32
    %dma_wait3A_34 = tpu.memref_slice %arg10[%dma_wait3A_33] : memref<10240xf32, #tpu.memory_space<vmem_shared>> -> memref<10240xf32, #tpu.memory_space<vmem_shared>>
    tpu.wait_indirect_dma semaphore(%arg15 : memref<!tpu.dma_semaphore, #tpu.memory_space<semaphore_mem>>) src(%arg8 : memref<80xf32, #tpu.memory_space<vmem>>) dst(%dma_wait3A_34 : memref<10240xf32, #tpu.memory_space<vmem_shared>>)
    %dma_wait3A_35 = arith.constant 0 : i32
    %dma_wait3A_36 = tpu.memref_slice %arg10[%dma_wait3A_35] : memref<10240xf32, #tpu.memory_space<vmem_shared>> -> memref<10240xf32, #tpu.memory_space<vmem_shared>>
    tpu.wait_indirect_dma semaphore(%arg16 : memref<!tpu.dma_semaphore, #tpu.memory_space<semaphore_mem>>) src(%arg8 : memref<80xf32, #tpu.memory_space<vmem>>) dst(%dma_wait3A_36 : memref<10240xf32, #tpu.memory_space<vmem_shared>>)
    %barrier3A_37 = arith.constant 0 : index
    tpu.barrier barrier_id(%barrier3A_37)
    %mul3A_38 = arith.constant 640 : i32
    %mul3A_39 = arith.muli %arg1, %mul3A_38 : i32
    %mul3A_40 = arith.constant 640 : i32
    %mul3A_41 = arith.muli %arg1, %mul3A_40 : i32
    "tpu.region"() ({
      %run_scoped3A = tpu.sem_alloc : memref<!tpu.dma_semaphore, #tpu.memory_space<semaphore_mem>>
      %dma_start3A_42 = tpu.memref_slice %arg3[%arg0, %mul3A_41] : memref<2x10240xf32, #tpu.memory_space<hbm>> -> memref<1x640xf32, #tpu.memory_space<hbm>>
      %dma_start3A_43 = tpu.memref_squeeze %dma_start3A_42 : memref<1x640xf32, #tpu.memory_space<hbm>> -> memref<640xf32, #tpu.memory_space<hbm>>
      %dma_start3A_44 = tpu.memref_slice %arg10[%mul3A_39] : memref<10240xf32, #tpu.memory_space<vmem_shared>> -> memref<640xf32, #tpu.memory_space<vmem_shared>>
      tpu.enqueue_dma source(%dma_start3A_44 : memref<640xf32, #tpu.memory_space<vmem_shared>>) target(%dma_start3A_43 : memref<640xf32, #tpu.memory_space<hbm>>) target_semaphore(%run_scoped3A : memref<!tpu.dma_semaphore, #tpu.memory_space<semaphore_mem>>)
      %dma_wait3A_45 = tpu.memref_slice %arg3[%arg0, %mul3A_41] : memref<2x10240xf32, #tpu.memory_space<hbm>> -> memref<1x640xf32, #tpu.memory_space<hbm>>
      %dma_wait3A_46 = tpu.memref_squeeze %dma_wait3A_45 : memref<1x640xf32, #tpu.memory_space<hbm>> -> memref<640xf32, #tpu.memory_space<hbm>>
      %dma_wait3A_47 = tpu.memref_slice %arg10[%mul3A_39] : memref<10240xf32, #tpu.memory_space<vmem_shared>> -> memref<640xf32, #tpu.memory_space<vmem_shared>>
      tpu.wait_dma2 semaphore(%run_scoped3A : memref<!tpu.dma_semaphore, #tpu.memory_space<semaphore_mem>>) src(%dma_wait3A_47 : memref<640xf32, #tpu.memory_space<vmem_shared>>) dst(%dma_wait3A_46 : memref<640xf32, #tpu.memory_space<hbm>>)
      tpu.yield
    }) : () -> ()
    return
  }
}

module attributes {stable_mosaic.version = 14 : i64} {
  func.func @_split_body(%arg0: i32, %arg1: memref<2x320000xi32, #tpu.memory_space<vmem>>, %arg2: memref<320000xi32, #tpu.memory_space<vmem>>, %arg3: memref<320000xi32, #tpu.memory_space<vmem>>) attributes {dimension_semantics = [#tpu.dimension_semantics<arbitrary>], iteration_bounds = array<i64: 1>, scalar_prefetch = 0 : i64, scratch_operands = 0 : i64, tpu.core_type = #tpu.core_type<tc>, window_params = [{transform_indices = @transform_0, window_bounds = array<i64: 2, 320000>}, {transform_indices = @transform_1, window_bounds = array<i64: 320000>}, {transform_indices = @transform_2, window_bounds = array<i64: 320000>}]} {
    %get3A = arith.constant 0 : index
    %get3A_0 = arith.constant 0 : index
    %get3A_1 = vector.load %arg1[%get3A, %get3A_0] : memref<2x320000xi32, #tpu.memory_space<vmem>>, vector<2x320000xi32>
    %slice3A = vector.extract_strided_slice %get3A_1 {offsets = [0, 0], sizes = [1, 320000], strides = [1, 1]} : vector<2x320000xi32> to vector<1x320000xi32>
    %squeeze3A = vector.shape_cast %slice3A : vector<1x320000xi32> to vector<320000xi32>
    %swap3A = arith.constant 0 : index
    %swap3A_2 = vector.load %arg2[%swap3A] : memref<320000xi32, #tpu.memory_space<vmem>>, vector<320000xi32>
    tpu.vector_store %arg2[%swap3A], %squeeze3A {strides = array<i32>} : memref<320000xi32, #tpu.memory_space<vmem>>, vector<320000xi32>,
    %slice3A_3 = vector.extract_strided_slice %get3A_1 {offsets = [1, 0], sizes = [1, 320000], strides = [1, 1]} : vector<2x320000xi32> to vector<1x320000xi32>
    %squeeze3A_4 = vector.shape_cast %slice3A_3 : vector<1x320000xi32> to vector<320000xi32>
    %swap3A_5 = arith.constant 0 : index
    %swap3A_6 = vector.load %arg3[%swap3A_5] : memref<320000xi32, #tpu.memory_space<vmem>>, vector<320000xi32>
    tpu.vector_store %arg3[%swap3A_5], %squeeze3A_4 {strides = array<i32>} : memref<320000xi32, #tpu.memory_space<vmem>>, vector<320000xi32>,
    return
  }
  func.func @transform_0(%arg0: i32) -> (i32, i32) {
    %c0_i32 = arith.constant 0 : i32
    %c0_i32_0 = arith.constant 0 : i32
    return %c0_i32, %arg0 : i32, i32
  }
  func.func @transform_1(%arg0: i32) -> i32 {
    %c0_i32 = arith.constant 0 : i32
    return %arg0 : i32
  }
  func.func @transform_2(%arg0: i32) -> i32 {
    %c0_i32 = arith.constant 0 : i32
    return %arg0 : i32
  }
}

module attributes {stable_mosaic.version = 14 : i64} {
  func.func @_xws_body(%arg0: i32, %arg1: memref<2560x128xf32, #tpu.memory_space<vmem>>, %arg2: memref<128x128xf32, #tpu.memory_space<vmem>>, %arg3: memref<2x2560xf32, #tpu.memory_space<vmem>>, %arg4: memref<2560x128xf32, #tpu.memory_space<vmem>>, %arg5: memref<2560x1xf32, #tpu.memory_space<vmem>>) attributes {dimension_semantics = [#tpu.dimension_semantics<arbitrary>], iteration_bounds = array<i64: 4>, scalar_prefetch = 0 : i64, scratch_operands = 0 : i64, tpu.core_type = #tpu.core_type<tc>, window_params = [{transform_indices = @transform_0, window_bounds = array<i64: 2560, 128>}, {pipeline_mode = #tpu.pipeline_mode<synchronous>, transform_indices = @transform_1, window_bounds = array<i64: 128, 128>}, {transform_indices = @transform_2, window_bounds = array<i64: 2, 2560>}, {transform_indices = @transform_3, window_bounds = array<i64: 2560, 128>}, {transform_indices = @transform_4, window_bounds = array<i64: 2560, 1>}]} {
    %get3A = arith.constant 0 : index
    %get3A_0 = arith.constant 0 : index
    %get3A_1 = vector.load %arg3[%get3A, %get3A_0] : memref<2x2560xf32, #tpu.memory_space<vmem>>, vector<2x2560xf32>
    %slice3A = vector.extract_strided_slice %get3A_1 {offsets = [0, 0], sizes = [1, 2560], strides = [1, 1]} : vector<2x2560xf32> to vector<1x2560xf32>
    %slice3A_2 = vector.extract_strided_slice %get3A_1 {offsets = [1, 0], sizes = [1, 2560], strides = [1, 1]} : vector<2x2560xf32> to vector<1x2560xf32>
    %add3A = arith.addf %slice3A, %slice3A_2 : vector<1x2560xf32>
    %add3A_3 = arith.constant 1.000000e+00 : f32
    %add3A_4 = vector.broadcast %add3A_3 : f32 to vector<1x2560xf32>
    %add3A_5 = arith.addf %add3A, %add3A_4 : vector<1x2560xf32>
    %rsqrt3A = math.rsqrt %add3A_5 : vector<1x2560xf32>
    %transpose3A = tpu.transpose %rsqrt3A, [1, 0] : vector<1x2560xf32> -> vector<2560x1xf32>
    %swap3A = arith.constant 0 : index
    %swap3A_6 = arith.constant 0 : index
    %swap3A_7 = vector.load %arg5[%swap3A, %swap3A_6] : memref<2560x1xf32, #tpu.memory_space<vmem>>, vector<2560x1xf32>
    tpu.vector_store %arg5[%swap3A, %swap3A_6], %transpose3A {strides = array<i32>} : memref<2560x1xf32, #tpu.memory_space<vmem>>, vector<2560x1xf32>,
    %get3A_8 = arith.constant 0 : index
    %get3A_9 = arith.constant 0 : index
    %get3A_10 = vector.load %arg1[%get3A_8, %get3A_9] : memref<2560x128xf32, #tpu.memory_space<vmem>>, vector<2560x128xf32>
    %get3A_11 = arith.constant 0 : index
    %get3A_12 = arith.constant 0 : index
    %get3A_13 = vector.load %arg2[%get3A_11, %get3A_12] : memref<128x128xf32, #tpu.memory_space<vmem>>, vector<128x128xf32>
    %dot_general3A = arith.constant dense<0.000000e+00> : vector<2560x128xf32>
    %dot_general3A_14 = tpu.matmul %get3A_10, %get3A_13, %dot_general3A {dimension_numbers = #tpu.dot_dimension_numbers<[1], [0], [0], [1], [0, 0, 1, 1], [], []>, transpose_lhs_hint = false} : vector<2560x128xf32>, vector<128x128xf32>, vector<2560x128xf32> -> vector<2560x128xf32>
    %mul3A = vector.broadcast %transpose3A : vector<2560x1xf32> to vector<2560x128xf32>
    %mul3A_15 = arith.mulf %dot_general3A_14, %mul3A : vector<2560x128xf32>
    %swap3A_16 = arith.constant 0 : index
    %swap3A_17 = arith.constant 0 : index
    %swap3A_18 = vector.load %arg4[%swap3A_16, %swap3A_17] : memref<2560x128xf32, #tpu.memory_space<vmem>>, vector<2560x128xf32>
    tpu.vector_store %arg4[%swap3A_16, %swap3A_17], %mul3A_15 {strides = array<i32>} : memref<2560x128xf32, #tpu.memory_space<vmem>>, vector<2560x128xf32>,
    return
  }
  func.func @transform_0(%arg0: i32) -> (i32, i32) {
    %c0_i32 = arith.constant 0 : i32
    %c0_i32_0 = arith.constant 0 : i32
    return %arg0, %c0_i32 : i32, i32
  }
  func.func @transform_1(%arg0: i32) -> (i32, i32) {
    %c0_i32 = arith.constant 0 : i32
    %c0_i32_0 = arith.constant 0 : i32
    %c0_i32_1 = arith.constant 0 : i32
    return %c0_i32, %c0_i32_0 : i32, i32
  }
  func.func @transform_2(%arg0: i32) -> (i32, i32) {
    %c0_i32 = arith.constant 0 : i32
    %c0_i32_0 = arith.constant 0 : i32
    return %c0_i32, %arg0 : i32, i32
  }
  func.func @transform_3(%arg0: i32) -> (i32, i32) {
    %c0_i32 = arith.constant 0 : i32
    %c0_i32_0 = arith.constant 0 : i32
    return %arg0, %c0_i32 : i32, i32
  }
  func.func @transform_4(%arg0: i32) -> (i32, i32) {
    %c0_i32 = arith.constant 0 : i32
    %c0_i32_0 = arith.constant 0 : i32
    return %arg0, %c0_i32 : i32, i32
  }
}

module attributes {stable_mosaic.version = 14 : i64} {
  func.func @_gru_body(%arg0: i32, %arg1: memref<2x5000x128xf32, #tpu.memory_space<vmem>>, %arg2: memref<5000x1xf32, #tpu.memory_space<vmem>>, %arg3: memref<1x128xf32, #tpu.memory_space<vmem>>, %arg4: memref<128x384xbf16, #tpu.memory_space<vmem>>, %arg5: memref<1x384xf32, #tpu.memory_space<vmem>>, %arg6: memref<1x384xf32, #tpu.memory_space<vmem>>, %arg7: memref<128x1xbf16, #tpu.memory_space<vmem>>, %arg8: memref<1x1xf32, #tpu.memory_space<vmem>>, %arg9: memref<5000x1xf32, #tpu.memory_space<vmem>>) attributes {dimension_semantics = [#tpu.dimension_semantics<arbitrary>], iteration_bounds = array<i64: 2>, scalar_prefetch = 0 : i64, scratch_operands = 0 : i64, tpu.core_type = #tpu.core_type<tc>, window_params = [{transform_indices = @transform_0, window_bounds = array<i64: 2, 5000, 128>}, {transform_indices = @transform_1, window_bounds = array<i64: 5000, 1>}, {pipeline_mode = #tpu.pipeline_mode<synchronous>, transform_indices = @transform_2, window_bounds = array<i64: 1, 128>}, {pipeline_mode = #tpu.pipeline_mode<synchronous>, transform_indices = @transform_3, window_bounds = array<i64: 128, 384>}, {pipeline_mode = #tpu.pipeline_mode<synchronous>, transform_indices = @transform_4, window_bounds = array<i64: 1, 384>}, {pipeline_mode = #tpu.pipeline_mode<synchronous>, transform_indices = @transform_5, window_bounds = array<i64: 1, 384>}, {pipeline_mode = #tpu.pipeline_mode<synchronous>, transform_indices = @transform_6, window_bounds = array<i64: 128, 1>}, {pipeline_mode = #tpu.pipeline_mode<synchronous>, transform_indices = @transform_7, window_bounds = array<i64: 1, 1>}, {transform_indices = @transform_8, window_bounds = array<i64: 5000, 1>}]} {
    %get3A = arith.constant 0 : index
    %get3A_0 = arith.constant 0 : index
    %get3A_1 = arith.constant 0 : index
    %get3A_2 = vector.load %arg1[%get3A, %get3A_0, %get3A_1] : memref<2x5000x128xf32, #tpu.memory_space<vmem>>, vector<2x5000x128xf32>
    %get3A_3 = arith.constant 0 : index
    %get3A_4 = arith.constant 0 : index
    %get3A_5 = vector.load %arg2[%get3A_3, %get3A_4] : memref<5000x1xf32, #tpu.memory_space<vmem>>, vector<5000x1xf32>
    %slice3A = vector.extract_strided_slice %get3A_2 {offsets = [0, 0, 0], sizes = [1, 5000, 128], strides = [1, 1, 1]} : vector<2x5000x128xf32> to vector<1x5000x128xf32>
    %squeeze3A = vector.shape_cast %slice3A : vector<1x5000x128xf32> to vector<5000x128xf32>
    %slice3A_6 = vector.extract_strided_slice %get3A_2 {offsets = [1, 0, 0], sizes = [1, 5000, 128], strides = [1, 1, 1]} : vector<2x5000x128xf32> to vector<1x5000x128xf32>
    %squeeze3A_7 = vector.shape_cast %slice3A_6 : vector<1x5000x128xf32> to vector<5000x128xf32>
    %add3A = arith.addf %squeeze3A, %squeeze3A_7 : vector<5000x128xf32>
    %mul3A = vector.broadcast %get3A_5 : vector<5000x1xf32> to vector<5000x128xf32>
    %mul3A_8 = arith.mulf %mul3A, %add3A : vector<5000x128xf32>
    %get3A_9 = arith.constant 0 : index
    %get3A_10 = arith.constant 0 : index
    %get3A_11 = vector.load %arg3[%get3A_9, %get3A_10] : memref<1x128xf32, #tpu.memory_space<vmem>>, vector<1x128xf32>
    %add3A_12 = vector.broadcast %get3A_11 : vector<1x128xf32> to vector<5000x128xf32>
    %add3A_13 = arith.addf %mul3A_8, %add3A_12 : vector<5000x128xf32>
    %convert_element_type3A = arith.truncf %add3A_13 : vector<5000x128xf32> to vector<5000x128xbf16>
    %get3A_14 = arith.constant 0 : index
    %get3A_15 = arith.constant 0 : index
    %get3A_16 = vector.load %arg4[%get3A_14, %get3A_15] : memref<128x384xbf16, #tpu.memory_space<vmem>>, vector<128x384xbf16>
    %dot_general3A = arith.constant dense<0.000000e+00> : vector<5000x384xf32>
    %dot_general3A_17 = tpu.matmul %convert_element_type3A, %get3A_16, %dot_general3A {dimension_numbers = #tpu.dot_dimension_numbers<[1], [0], [0], [1], [0, 0, 1, 1], [], []>, transpose_lhs_hint = false} : vector<5000x128xbf16>, vector<128x384xbf16>, vector<5000x384xf32> -> vector<5000x384xf32>
    %get3A_18 = arith.constant 0 : index
    %get3A_19 = arith.constant 0 : index
    %get3A_20 = vector.load %arg5[%get3A_18, %get3A_19] : memref<1x384xf32, #tpu.memory_space<vmem>>, vector<1x384xf32>
    %add3A_21 = vector.broadcast %get3A_20 : vector<1x384xf32> to vector<5000x384xf32>
    %add3A_22 = arith.addf %dot_general3A_17, %add3A_21 : vector<5000x384xf32>
    %get3A_23 = arith.constant 0 : index
    %get3A_24 = arith.constant 0 : index
    %get3A_25 = vector.load %arg6[%get3A_23, %get3A_24] : memref<1x384xf32, #tpu.memory_space<vmem>>, vector<1x384xf32>
    %slice3A_26 = vector.extract_strided_slice %add3A_22 {offsets = [0, 0], sizes = [5000, 128], strides = [1, 1]} : vector<5000x384xf32> to vector<5000x128xf32>
    %slice3A_27 = vector.extract_strided_slice %get3A_25 {offsets = [0, 0], sizes = [1, 128], strides = [1, 1]} : vector<1x384xf32> to vector<1x128xf32>
    %add3A_28 = vector.broadcast %slice3A_27 : vector<1x128xf32> to vector<5000x128xf32>
    %add3A_29 = arith.addf %slice3A_26, %add3A_28 : vector<5000x128xf32>
    %logistic3A = arith.negf %add3A_29 : vector<5000x128xf32>
    %logistic3A_30 = math.exp %logistic3A : vector<5000x128xf32>
    %logistic3A_31 = arith.constant 1.000000e+00 : f32
    %logistic3A_32 = vector.broadcast %logistic3A_31 : f32 to vector<5000x128xf32>
    %logistic3A_33 = arith.addf %logistic3A_32, %logistic3A_30 : vector<5000x128xf32>
    %logistic3A_34 = arith.divf %logistic3A_32, %logistic3A_33 : vector<5000x128xf32>
    %slice3A_35 = vector.extract_strided_slice %add3A_22 {offsets = [0, 128], sizes = [5000, 128], strides = [1, 1]} : vector<5000x384xf32> to vector<5000x128xf32>
    %slice3A_36 = vector.extract_strided_slice %get3A_25 {offsets = [0, 128], sizes = [1, 128], strides = [1, 1]} : vector<1x384xf32> to vector<1x128xf32>
    %add3A_37 = vector.broadcast %slice3A_36 : vector<1x128xf32> to vector<5000x128xf32>
    %add3A_38 = arith.addf %slice3A_35, %add3A_37 : vector<5000x128xf32>
    %logistic3A_39 = arith.negf %add3A_38 : vector<5000x128xf32>
    %logistic3A_40 = math.exp %logistic3A_39 : vector<5000x128xf32>
    %logistic3A_41 = arith.constant 1.000000e+00 : f32
    %logistic3A_42 = vector.broadcast %logistic3A_41 : f32 to vector<5000x128xf32>
    %logistic3A_43 = arith.addf %logistic3A_42, %logistic3A_40 : vector<5000x128xf32>
    %logistic3A_44 = arith.divf %logistic3A_42, %logistic3A_43 : vector<5000x128xf32>
    %slice3A_45 = vector.extract_strided_slice %add3A_22 {offsets = [0, 256], sizes = [5000, 128], strides = [1, 1]} : vector<5000x384xf32> to vector<5000x128xf32>
    %slice3A_46 = vector.extract_strided_slice %get3A_25 {offsets = [0, 256], sizes = [1, 128], strides = [1, 1]} : vector<1x384xf32> to vector<1x128xf32>
    %mul3A_47 = vector.broadcast %slice3A_46 : vector<1x128xf32> to vector<5000x128xf32>
    %mul3A_48 = arith.mulf %logistic3A_34, %mul3A_47 : vector<5000x128xf32>
    %add3A_49 = arith.addf %slice3A_45, %mul3A_48 : vector<5000x128xf32>
    %tanh3A = math.tanh %add3A_49 : vector<5000x128xf32>
    %sub3A = arith.constant 1.000000e+00 : f32
    %sub3A_50 = vector.broadcast %sub3A : f32 to vector<5000x128xf32>
    %sub3A_51 = arith.subf %sub3A_50, %logistic3A_44 : vector<5000x128xf32>
    %mul3A_52 = arith.mulf %sub3A_51, %tanh3A : vector<5000x128xf32>
    %convert_element_type3A_53 = arith.truncf %mul3A_52 : vector<5000x128xf32> to vector<5000x128xbf16>
    %get3A_54 = arith.constant 0 : index
    %get3A_55 = arith.constant 0 : index
    %get3A_56 = vector.load %arg7[%get3A_54, %get3A_55] : memref<128x1xbf16, #tpu.memory_space<vmem>>, vector<128x1xbf16>
    %dot_general3A_57 = arith.constant dense<0.000000e+00> : vector<5000x1xf32>
    %dot_general3A_58 = tpu.matmul %convert_element_type3A_53, %get3A_56, %dot_general3A_57 {dimension_numbers = #tpu.dot_dimension_numbers<[1], [0], [0], [1], [0, 0, 1, 1], [], []>, transpose_lhs_hint = false} : vector<5000x128xbf16>, vector<128x1xbf16>, vector<5000x1xf32> -> vector<5000x1xf32>
    %get3A_59 = arith.constant 0 : index
    %get3A_60 = arith.constant 0 : index
    %get3A_61 = vector.load %arg8[%get3A_59, %get3A_60] : memref<1x1xf32, #tpu.memory_space<vmem>>, vector<1x1xf32>
    %add3A_62 = vector.broadcast %get3A_61 : vector<1x1xf32> to vector<5000x1xf32>
    %add3A_63 = arith.addf %dot_general3A_58, %add3A_62 : vector<5000x1xf32>
    %swap3A = arith.constant 0 : index
    %swap3A_64 = arith.constant 0 : index
    %swap3A_65 = vector.load %arg9[%swap3A, %swap3A_64] : memref<5000x1xf32, #tpu.memory_space<vmem>>, vector<5000x1xf32>
    tpu.vector_store %arg9[%swap3A, %swap3A_64], %add3A_63 {strides = array<i32>} : memref<5000x1xf32, #tpu.memory_space<vmem>>, vector<5000x1xf32>,
    return
  }
  func.func @transform_0(%arg0: i32) -> (i32, i32, i32) {
    %c0_i32 = arith.constant 0 : i32
    %c0_i32_0 = arith.constant 0 : i32
    %c0_i32_1 = arith.constant 0 : i32
    return %c0_i32, %arg0, %c0_i32_0 : i32, i32, i32
  }
  func.func @transform_1(%arg0: i32) -> (i32, i32) {
    %c0_i32 = arith.constant 0 : i32
    %c0_i32_0 = arith.constant 0 : i32
    return %arg0, %c0_i32 : i32, i32
  }
  func.func @transform_2(%arg0: i32) -> (i32, i32) {
    %c0_i32 = arith.constant 0 : i32
    %c0_i32_0 = arith.constant 0 : i32
    %c0_i32_1 = arith.constant 0 : i32
    return %c0_i32, %c0_i32_0 : i32, i32
  }
  func.func @transform_3(%arg0: i32) -> (i32, i32) {
    %c0_i32 = arith.constant 0 : i32
    %c0_i32_0 = arith.constant 0 : i32
    %c0_i32_1 = arith.constant 0 : i32
    return %c0_i32, %c0_i32_0 : i32, i32
  }
  func.func @transform_4(%arg0: i32) -> (i32, i32) {
    %c0_i32 = arith.constant 0 : i32
    %c0_i32_0 = arith.constant 0 : i32
    %c0_i32_1 = arith.constant 0 : i32
    return %c0_i32, %c0_i32_0 : i32, i32
  }
  func.func @transform_5(%arg0: i32) -> (i32, i32) {
    %c0_i32 = arith.constant 0 : i32
    %c0_i32_0 = arith.constant 0 : i32
    %c0_i32_1 = arith.constant 0 : i32
    return %c0_i32, %c0_i32_0 : i32, i32
  }
  func.func @transform_6(%arg0: i32) -> (i32, i32) {
    %c0_i32 = arith.constant 0 : i32
    %c0_i32_0 = arith.constant 0 : i32
    %c0_i32_1 = arith.constant 0 : i32
    return %c0_i32, %c0_i32_0 : i32, i32
  }
  func.func @transform_7(%arg0: i32) -> (i32, i32) {
    %c0_i32 = arith.constant 0 : i32
    %c0_i32_0 = arith.constant 0 : i32
    %c0_i32_1 = arith.constant 0 : i32
    return %c0_i32, %c0_i32_0 : i32, i32
  }
  func.func @transform_8(%arg0: i32) -> (i32, i32) {
    %c0_i32 = arith.constant 0 : i32
    %c0_i32_0 = arith.constant 0 : i32
    return %arg0, %c0_i32 : i32, i32
  }
}

</mosaic_0001>

<sc_bundles>
// kernel: kernel.10.cloned.1.call-start
scs
__scs_entry_jumppad:
0x0: {  	(pc) =	sbr.rel $0x88, $3  }
0x1: {  	(tag) =	ssettag $0x0;
	lr =	simm.s32 $0x1  }
0x2: {  	[smem:$0x3F98] =	sst lr;
	_ =	strace $0xD0000000  }
0x3: {  	_ = 	snop  }
0x4: {  	_ = 	snop  }
0x5: {  	_ = 	snop  }
0x6: {  	_ = 	snop  }
0x7: {  	_ = 	snop  }
__scs_overlays_trampoline_lowered:
0x8: {  	[smem:$0x3FA7] =	sst s0  }
0x9: {  	[smem:$0x3FA8] =	sst s1  }
0xa: {  	[smem:$0x3FA9] =	sst s2  }
0xb: {  	[smem:$0x3FAA] =	sst s3  }
0xc: {  	[smem:$0x3FAB] =	sst s4  }
0xd: {  	[smem:$0x3FAC] =	sst s5  }
0xe: {  	[smem:$0x3FAD] =	sst s6  }
0xf: {  	[smem:$0x3FAE] =	sst s7  }
0x10: {  	[smem:$0x3FAF] =	sst s8  }
0x11: {  	[smem:$0x3FB0] =	sst s9;
	s0 =	simm.s32 @!p0 $0x0  }
0x12: {  	s1 =	sld [smem:$0x3F96];
	s0 =	simm.s32 @p0 $0x1  }
0x13: {  	[smem:$0x3FB1] =	sst s0;
	s0 =	simm.s32 @!p1 $0x0  }
0x14: {  	s2 =	sld [smem:$0x3F95];
	s0 =	simm.s32 @p1 $0x1  }
0x15: {  	[smem:$0x3FB2] =	sst s0;
	s0 =	simm.s32 @!p2 $0x0  }
0x16: {  	s3 =	sld [smem:$0x3FDB];
	s0 =	simm.s32 @p2 $0x1  }
0x17: {  	s4 =	simm.s32 $0x1BF5;
	[smem:$0x3FB4] =	sst s0  }
0x18: {  	s0 =	sld [smem:$0x3F97];
	_ =	swait.ge [sflag:s4], $0x0  }
0x19: {  	s7 =	sld [smem:$0x3F98]  }
0x1a: {  	s8 =	sadd.s32 $0xFFFFE003, lr  }
0x1b: {  	s9 =	sadd.s32 $0xFFFFFEF7, lr;
	s5 =	simm.s32 $0xFFFFFFFF;
	p2 =	slt.u32 s8, $0xFFFFF086  }
0x1c: {  	p1 =	slt.u32 s9, $0xF7A;
	s5 =	simm.s32 @!p2 $0x0  }
0x1d: {  	s5 =	simm.s32 @p1 $0x1;
	p0 =	seq.s32 s7, s2  }
0x1e: {  	s7 =	smul.u32 @!p0 $0xF7A, s2;
	p2 =	seq.s32 @!p0 s5, $0x0  }
0x1f: {  	s9 =	smul.u32 $0xF7A, s1;
	s8 =	simm.s32 @!p0 $0x1BF5;
	p2 =	por !p2, p0  }
0x20: {  	[sflag:s8] =	ssyncset.s32 @!p0 $0xFFFFF086;
	s6 =	sadd.s32 @!p0 s3, s7;
	s7 =	simm.s32 @!p0 $0x108  }
0x21: {  	s3 =	sadd.s32 s3, s9;
	s6 =	sadd.s32 @!p0 $0x88, s6;
	s7 =	simm.s32 @p2 $0x1082  }
0x22: {  	[simem:s7], [sflag:s8] =	dma.local @!p0 [hbm:s6], $0xF7A  }
0x23: {  	s9 =	sor.u32 $0xD0000000, s2;
	s6 =	simm.s32 $0x108;
	_ =	swait.ge @!p0 [sflag:s8], $0x0  }
0x24: {  	s3 =	sadd.s32 $0x88, s3;
	s6 =	simm.s32 @!p1 $0x1082;
	[sflag:s4] =	ssyncset.s32 $0xFFFFF086  }
0x25: {  	[simem:s6], [sflag:s4] =	dma.local [hbm:s3], $0xF7A  }
0x26: {  	[smem:$0x3F98] =	sst s1;
	(tag) =	ssettag s2;
	_ =	strace s9  }
0x27: {  	s1 =	sld [smem:$0x3FA8]  }
0x28: {  	s2 =	sld [smem:$0x3FA9]  }
0x29: {  	s4 =	sld [smem:$0x3FAB]  }
0x2a: {  	p0 =	seq.s32 s5, $0x0;
	s5 =	sld [smem:$0x3FAC]  }
0x2b: {  	s6 =	sld [smem:$0x3FAD]  }
0x2c: {  	s7 =	sld [smem:$0x3FAE]  }
0x2d: {  	s3 =	simm.s32 $0x108;
	s8 =	sld [smem:$0x3FAF]  }
0x2e: {  	s3 =	simm.s32 @!p0 $0x1082;
	s9 =	sld [smem:$0x3FB0]  }
0x2f: {  	lr =	sadd.s32 s0, s3;
	s0 =	sld [smem:$0x3FA7]  }
0x30: {  	s3 =	sld [smem:$0x3FAA]  }
0x31: {  	[smem:$0x3FB3] =	sst s10  }
0x32: {  	s10 =	sld [smem:$0x3FB1];
	_ =	sdelay $0x3  }
0x33: {  	p0 =	seq.s32 s10, $0x1;
	s10 =	sld [smem:$0x3FB3];
	_ =	sdelay $0x3  }
0x34: {  	[smem:$0x3FB3] =	sst s10  }
0x35: {  	s10 =	sld [smem:$0x3FB2];
	_ =	sdelay $0x3  }
0x36: {  	p1 =	seq.s32 s10, $0x1;
	s10 =	sld [smem:$0x3FB3];
	_ =	sdelay $0x3  }
0x37: {  	[smem:$0x3FB3] =	sst s10  }
0x38: {  	s10 =	sld [smem:$0x3FB4]  }
0x39: {  	_ = 	snop;
	(pc) =	sbr.ind lr, $3  }
0x3a: {  	_ = 	snop  }
0x3b: {  	_ = 	snop  }
0x3c: {  	p2 =	seq.s32 s10, $0x1;
	s10 =	sld [smem:$0x3FB3]  }
0x3d: {  	_ =	shalt  }
0x3e: {  	_ =	shalt  }
0x3f: {  	_ =	shalt  }
0x40: {  	_ =	shalt  }
0x41: {  	_ =	shalt  }
0x42: {  	_ =	shalt  }
0x43: {  	_ =	shalt  }
0x44: {  	_ =	shalt  }
0x45: {  	_ =	shalt  }
0x46: {  	_ =	shalt  }
0x47: {  	_ =	shalt  }
0x48: {  	_ =	shalt  }
0x49: {  	_ =	shalt  }
0x4a: {  	_ =	shalt  }
0x4b: {  	_ =	shalt  }
0x4c: {  	_ =	shalt  }
0x4d: {  	_ =	shalt  }
0x4e: {  	_ =	shalt  }
0x4f: {  	_ =	shalt  }
0x50: {  	_ =	shalt  }
0x51: {  	_ =	shalt  }
0x52: {  	_ =	shalt  }
0x53: {  	_ =	shalt  }
0x54: {  	_ =	shalt  }
0x55: {  	_ =	shalt  }
0x56: {  	_ =	shalt  }
0x57: {  	_ =	shalt  }
0x58: {  	_ =	shalt  }
0x59: {  	_ =	shalt  }
0x5a: {  	_ =	shalt  }
0x5b: {  	_ =	shalt  }
0x5c: {  	_ =	shalt  }
0x5d: {  	_ =	shalt  }
0x5e: {  	_ =	shalt  }
0x5f: {  	_ =	shalt  }
0x60: {  	_ =	shalt  }
0x61: {  	_ =	shalt  }
0x62: {  	_ =	shalt  }
0x63: {  	_ =	shalt  }
0x64: {  	_ =	shalt  }
0x65: {  	_ =	shalt  }
0x66: {  	_ =	shalt  }
0x67: {  	_ =	shalt  }
0x68: {  	_ =	shalt  }
0x69: {  	_ =	shalt  }
0x6a: {  	_ =	shalt  }
0x6b: {  	_ =	shalt  }
0x6c: {  	_ =	shalt  }
0x6d: {  	_ =	shalt  }
0x6e: {  	_ =	shalt  }
0x6f: {  	_ =	shalt  }
0x70: {  	_ =	shalt  }
0x71: {  	_ =	shalt  }
0x72: {  	_ =	shalt  }
0x73: {  	_ =	shalt  }
0x74: {  	_ =	shalt  }
0x75: {  	_ =	shalt  }
0x76: {  	_ =	shalt  }
0x77: {  	_ =	shalt  }
0x78: {  	_ =	shalt  }
0x79: {  	_ =	shalt  }
0x7a: {  	_ =	shalt  }
0x7b: {  	_ =	shalt  }
0x7c: {  	_ =	shalt  }
0x7d: {  	_ =	shalt  }
0x7e: {  	_ =	shalt  }
0x7f: {  	_ =	shalt  }
0x80: {  	_ =	shalt  }
0x81: {  	_ =	shalt  }
0x82: {  	_ =	shalt  }
0x83: {  	_ =	shalt  }
0x84: {  	_ =	shalt  }
0x85: {  	_ =	shalt  }
0x86: {  	_ =	shalt  }
0x87: {  	_ =	shalt  }
.Lfunc_end0:
.L_simem_size_0:
called_computation.1_lowered:
.L_overlay_start_0:
0x88: {  	s2 =	sld [smem:$0x3FD9]  }
0x89: {  	s3 =	sld [smem:$0x3FFE];
	_ =	sdelay $0x1  }
0x8a: {  	s1 =	srdreg.scid  }
0x8b: {  	s0 =	sand.u32 $0x1, s1  }
0x8c: {  	s16 =	sshll.u32 s0, $0xA;
	s2 =	sadd.s32 s3, s2  }
0x8d: {  	s2 =	sadd.s32 s2, s16  }
0x8e: {  	[smem:$0x3FBF] =	sst s2  }
0x8f: {  	_ = 	snop  }
0x90: {  	(tm) =	ssettm $0x1  }
0x91: {  	s17 =	sld [smem:$0x3FFB];
	_ =	sdelay $0x3  }
0x92: {  	_ =	strace s17  }
0x93: {  	s2 =	sld [smem:$0x3FFC];
	_ =	sdelay $0x3  }
0x94: {  	_ =	strace s2  }
0x95: {  	s2 =	sld [smem:$0x3FFD];
	_ =	sdelay $0x3  }
0x96: {  	_ =	strace s2  }
0x97: {  	_ =	strace $0x8FFFFFFF  }
0x98: {  	s18 =	sld [smem:$0x3FDB];
	_ =	sdelay $0x1  }
0x99: {  	s19 =	simm.s32 $_scs_section_size  }
0x9a: {  	s4 =	simm.s32 $_size__tile_overlayer_lowered;
	s5 =	simm.s32 $_tile_overlayer_lowered  }
0x9b: {  	s22 =	simm.s32 $0x1BFF;
	s21 =	sshll.u32 s5, $0x1;
	s2 =	sadd.s32 s19, s18  }
0x9c: {  	s6 =	simm.s32 $0x0;
	s20 =	sshll.u32 s4, $0x1;
	s4 =	sadd.s32 s21, s2  }
0x9d: {  	[timem:s6], [sflag:s22] =	dma.local [hbm:s4], s20  }
0x9e: {  	_ =	swait.ge [sflag:s22], s20  }
0x9f: {  	s3 =	ssub.s32 $0x0, s20;
	[sflag:s22] =	ssyncset.done $0x0  }
0xa0: {  	[sflag:s22] =	ssyncadd.s32 s3;
	_ =	sdelay $0x1  }
0xa1: {  	s23 =	simm.s32 $0x1B8B  }
0xa2: {  	_ =	swait.ge [sflag:s23], $0x1  }
0xa3: {  	[sflag:s23] =	ssyncset.done $0x0  }
0xa4: {  	s25 =	simm.s32 $0x1B8E;
	s24 =	sld [smem:$0x3FFE];
	[sflag:s23] =	ssyncadd.s32 $0xFFFFFFFF  }
0xa5: {  	s26 =	simm.s32 $execute0_lowered;
	[smem:$0x3FD2] =	sst s25  }
0xa6: {  	s4 =	sshll.u32 s26, $0x1;
	_ =	strace $0x80000049;
	[dreg:$0x1] =	wrdreg $0xFFFFFFFF  }
0xa7: {  	s28 =	simm.s32 $_size_execute0_lowered;
	s2 =	sadd.s32 s2, s4;
	[dreg:$0x0] =	wrdreg $0x0  }
0xa8: {  	s4 =	sshll.u32 s28, $0x1;
	[dreg:$0x2] =	wrdreg s2  }
0xa9: {  	[dreg:$0x3] =	wrdreg s4  }
0xaa: {  	[dreg:$0x4] =	wrdreg $0xC0  }
0xab: {  	_ =	task [dreg:s6], $0x5FFFF  }
0xac: {  	[dreg:$0x1] =	wrdreg $0xFFFFFFFF  }
0xad: {  	[dreg:$0x0] =	wrdreg $0x60  }
0xae: {  	[dreg:$0x2] =	wrdreg s24  }
0xaf: {  	[dreg:$0x3] =	wrdreg $0xA8000  }
0xb0: {  	[dreg:$0x4] =	wrdreg $0x9  }
0xb1: {  	_ =	task.clear_ibuf [dreg:s6], $0x5FFFF;
	_ =	strace $0x90000049  }
0xb2: {  	s29 =	simm.s32 $0x9;
	_ =	strace $0x8000004B  }
0xb3: {  	_ =	swait.ge [sflag:s29], $0x1  }
0xb4: {  	[sflag:s29] =	ssyncadd.s32 $0xFFFFFFFF  }
0xb5: {  	_ =	strace $0x9000004B  }
0xb6: {  	_ =	sfence  }
0xb7: {  	s30 =	sld [smem:$0x0];
	_ =	sdelay $0x2  }
0xb8: {  	s31 =	sshll.u32 s1, $0xD;
	s1 =	sshrl.u32 s1, $0x2  }
0xb9: {  	s3 =	sand.u32 $0x4000, s31;
	s1 =	sadd.s32 s1, s30  }
0xba: {  	s0 =	sor.u32 s3, s0;
	s1 =	sshll.u32 s1, $0x11  }
0xbb: {  	s0 =	sor.u32 s1, s0  }
0xbc: {  	s0 =	sadd.s32 $0x8F2B, s0  }
0xbd: {  	[sflag:s0] =	ssyncadd.remote.s32 $0x1  }
0xbe: {  	_ =	sfence.sel $0xFFFF  }
0xbf: {  	[dreg:$0x0] =	wrdreg $0xFFFFFFFF;
	(pc) =	sbr.abs _section_cstart, $3  }
0xc0: {  	[dreg:$0x1] =	wrdreg $0xFFFFFFFF  }
0xc1: {  	_ =	task.clear_ibuf [dreg:s6], $0x2FFFF;
	_ =	strace $0x9FFFFFFF  }
0xc2: {  	(tm) =	ssettm $0x7FFFFFFF  }
0xc3: {  	_ =	shalt  }
tec
execute0_lowered:
.L_overlay_start_1:
0x0: {  	(tag) =	ssettag $0x1  }
0x1: {  	s0 =	rddreg [dreg:$0x0]  }
0x2: {  	s1 =	rddreg [dreg:$0x1];
	s13 =	stileid.u32  }
0x3: {  	s2 =	srdreg.scid;
	s7 =	smul.u32 $0x14000, s13  }
0x4: {  	s3 =	simm.s32 $0x0;
	s31 =	simm.s32 $0x800;
	s10 =	smul.u32 $0x50000, s13  }
0x5: {  	s30 =	simm.s32 $0xD;
	s2 =	sand.u32 $0x1, s2;
	s16 =	smul.u32 $0x2800, s13  }
0x6: {  	[smem:$0x7FF] =	sst s3;
	s4 =	sadd.s32 $0x15E00, s0;
	s21 =	smul.u32 $0x4E20, s13  }
0x7: {  	s5 =	sadd.s32 $0xC000, s0;
	s8 =	sshll.u32 s13, $0x1;
	s6 =	smul.u32 $0x140000, s2  }
0x8: {  	_ =	strace $0x8000004A;
	s9 =	ssub.s32 $0x2, s2;
	s8 =	sor.u32 s2, s8  }
0x9: {  	p0 =	seq.s32 s2, $0x1;
	s2 =	smul.u32 $0x2710, s2;
	s12 =	sshrl.u32 s9, $0x1  }
0xa: {  	s15 =	sshrl.u32 s10, $0x2;
	s10 =	sadd.s32 s4, s16;
	s7 =	sadd.s32 s7, s6  }
0xb: {  	s6 =	sadd.s32 $0x2200, s0;
	[dreg:$0x4] =	wrdreg s10;
	s10 =	sadd.s32 s2, s21  }
0xc: {  	s14 =	sadd.s32 s15, s1;
	s7 =	sshrl.u32 s7, $0x3;
	[dreg:$0xd] =	wrdreg s10  }
0xd: {  	s21 =	sadd.s32 $0x2800, s14;
	[dreg:$0x3] =	wrdreg s14;
	s11 =	sadd.s32 s7, s0  }
0xe: {  	s7 =	smul.u32 $0x2710, s8;
	s0 =	sadd.s32 $0x3B600, s0;
	[dreg:$0x18] =	wrdreg s21  }
0xf: {  	s8 =	ssub.s32 s9, s12;
	[dreg:$0x5] =	wrdreg s0;
	s11 =	sadd.s32 $0x3D000, s11  }
0x10: {  	s15 =	smax.u32 s8, $0x1;
	s17 =	sshrl.u32 s7, $0x3;
	[dreg:$0xf] =	wrdreg s11  }
0x11: {  	s29 =	simm.s32 $0x8000;
	[dreg:$0x10] =	wrdreg s15;
	s18 =	sadd.s32 s5, s17  }
0x12: {  	s19 =	sadd.s32 s6, s17;
	s20 =	sadd.s32 $0xA, s17;
	[dreg:$0x6] =	wrdreg s18  }
0x13: {  	p1 =	seq.s32 s13, $0xF;
	[dreg:$0x7] =	wrdreg s19;
	s22 =	sadd.s32 s5, s20  }
0x14: {  	s23 =	sadd.s32 $0x14, s17;
	s0 =	sadd.s32 s6, s20;
	[dreg:$0x8] =	wrdreg s22  }
0x15: {  	s16 =	sadd.s32 $0x320, s10;
	s24 =	sadd.s32 s5, s23;
	[dreg:$0x9] =	wrdreg s0  }
0x16: {  	s25 =	sadd.s32 $0x1E, s17;
	s26 =	sadd.s32 s6, s23;
	[dreg:$0xa] =	wrdreg s24  }
0x17: {  	s12 =	sadd.s32 $0x370, s10;
	s28 =	sadd.s32 s5, s25;
	[dreg:$0xb] =	wrdreg s26  }
0x18: {  	s21 =	simm.s32 $0x2;
	s23 =	sadd.s32 $0x7800, s14;
	[dreg:$0xc] =	wrdreg s28  }
0x19: {  	s18 =	sshrl.u32 s16, $0x3;
	s0 =	sadd.s32 s6, s25;
	[dreg:$0x1a] =	wrdreg s23  }
0x1a: {  	s9 =	simm.s32 $0x4;
	s2 =	sadd.s32 s18, s6;
	[dreg:$0xe] =	wrdreg s0  }
0x1b: {  	s15 =	simm.s32 $0x1;
	s22 =	sadd.s32 $0x5000, s14;
	[dreg:$0x13] =	wrdreg s2  }
0x1c: {  	s11 =	simm.s32 $0xE;
	s24 =	sadd.s32 $0xA000, s14;
	[dreg:$0x19] =	wrdreg s22  }
0x1d: {  	s19 =	sadd.s32 $0x2D0, s10;
	s25 =	sadd.s32 $0xC800, s14;
	[dreg:$0x1b] =	wrdreg s24  }
0x1e: {  	s16 =	simm.s32 $0x50;
	s26 =	sadd.s32 $0xF000, s14;
	[dreg:$0x1c] =	wrdreg s25  }
0x1f: {  	s10 =	simm.s32 $0x0;
	s28 =	sadd.s32 $0x11800, s14;
	[dreg:$0x1d] =	wrdreg s26  }
0x20: {  	s0 =	sshrl.u32 s12, $0x3;
	s2 =	sadd.s32 $0x12C000, s1;
	[dreg:$0x1e] =	wrdreg s28  }
0x21: {  	s12 =	simm.s32 $0xC;
	s17 =	sadd.s32 s0, s6;
	s0 =	sadd.s32 s0, s5  }
0x22: {  	s22 =	simm.s32 $0x10;
	[dreg:$0x12] =	wrdreg s0;
	s0 =	sadd.s32 s18, s5  }
.Ltmp0:
0x23: {  	[dreg:$0x14] =	wrdreg s0;
	s0 =	sshrl.u32 s19, $0x3;
	(pc) =	sbr.rel .LBB2_1-.Ltmp0, $4  }
0x24: {  	[dreg:$0x11] =	wrdreg s17;
	s17 =	simm.s32 $0x5;
	s20 =	sadd.s32 s0, s6  }
0x25: {  	s18 =	simm.s32 $0xF;
	s0 =	sadd.s32 s0, s5;
	[dreg:$0x15] =	wrdreg s20  }
0x26: {  	s19 =	simm.s32 $0x9;
	[dreg:$0x16] =	wrdreg s0;
	s0 =	sshrl.u32 @p1 s2, $0x3  }
0x27: {  	v0 =	vimm.f32 $0.0e+00;
	s20 =	simm.s32 $0x3;
	s2 =	simm.s32 $0xB;
	[dreg:$0x17] =	wrdreg s0  }
.LBB2_14:
0x28: {  	_ =	swait.ge [sflag:s30], $0x2800  }
0x29: {  	[sflag:s30] =	ssyncset.done $0x0  }
0x2a: {  	[sflag:s30] =	ssyncadd.s32 $0xFFFFD800  }
0x2b: {  	s0 =	stileid.u32;
	[bflag:$0x0] =	sbarrier.arrive $0xFFFF  }
0x2c: {  	s26 =	simm.s32 $0x11;
	s0 =	sshll.u32 s0, $0x6;
	s14 =	rddreg [dreg:$0x3]  }
0x2d: {  	s0 =	sor.u32 $0x1C11, s0;
	s13 =	rddreg [dreg:$0xf];
	s8 =	sshrl.u32 s14, $0x3  }
0x2e: {  	[hbm:s13], [sflag:s0] =	dma.local [spmem:s8], $0x2800  }
0x2f: {  	_ =	swait.ge [sflag:s26], $0x2800  }
0x30: {  	s10 =	rddreg [dreg:$0x1f]  }
0x31: {  	s28 =	rddreg [dreg:$0x10];
	s10 =	sadd.s32 $0x1, s10  }
0x32: {  	p2 =	sne.s32 s10, s28  }
.Ltmp1:
0x33: {  	_ = 	snop;
	(pc) =	sbr.rel @!p2 .LBB2_15-.Ltmp1, $3  }
0x34: {  	_ =	sdelay $0x1  }
0x35: {  	[sflag:s26] =	ssyncset.done $0x0  }
0x36: {  	[sflag:s26] =	ssyncadd.s32 $0xFFFFD800  }
.LBB2_1:
.Ltmp2:
0x37: {  	(pc) =	sbr.rel @!p0 .LBB2_2-.Ltmp2, $2  }
0x38: {  	_ =	sdelay $0x2  }
0x39: {  	s24 =	simm.s32 $0x1C0;
	[dreg:$0x1f] =	wrdreg s10  }
0x3a: {  	s23 =	sshra.s32 s24, $0x2;
	s24 =	sadd.s32 $0x200, s24  }
.LBB2_4:
0x3b: {  	p2 =	seq.s32 s24, $0x9FC0;
	[tilespmem:s23+$0x800] =	vst v0  }
0x3c: {  	[tilespmem:s23+$0x790] =	vst v0  }
0x3d: {  	[tilespmem:s23+$0x7A0] =	vst v0  }
.Ltmp3:
0x3e: {  	[tilespmem:s23+$0x7B0] =	vst v0;
	(pc) =	sbr.rel @!p2 .LBB2_4-.Ltmp3, $4  }
0x3f: {  	[tilespmem:s23+$0x7C0] =	vst v0  }
0x40: {  	[tilespmem:s23+$0x7D0] =	vst v0  }
0x41: {  	[tilespmem:s23+$0x7E0] =	vst v0  }
0x42: {  	[tilespmem:s23+$0x7F0] =	vst v0;
	s23 =	sshra.s32 s24, $0x2;
	s24 =	sadd.s32 $0x200, s24  }
0x43: {  	[tilespmem:s23+$0x800] =	vst v0  }
0x44: {  	[tilespmem:s23+$0x790] =	vst v0  }
0x45: {  	[tilespmem:s23+$0x7A0] =	vst v0  }
0x46: {  	[tilespmem:s23+$0x7B0] =	vst v0  }
0x47: {  	[tilespmem:s23+$0x7C0] =	vst v0  }
0x48: {  	[tilespmem:s23+$0x7D0] =	vst v0  }
0x49: {  	[tilespmem:s23+$0x7E0] =	vst v0  }
0x4a: {  	[tilespmem:s23+$0x7F0] =	vst v0;
	s8 =	simm.s32 $0x11  }
0x4b: {  	[spmem:s14] =	stream.linear.scatter [tilespmem:s31], [sflag:$0x11], $0x2800, $0x38;
	[tilespmem:$0x1E800] =	vst v63  }
0x4c: {  	_ =	swait.ge [sflag:s8], $0x2800  }
0x4d: {  	[sflag:s8] =	ssyncset.done $0x0  }
0x4e: {  	s0 =	rddreg [dreg:$0x18];
	[sflag:s8] =	ssyncadd.s32 $0xFFFFD800  }
0x4f: {  	[spmem:s0] =	stream.linear.scatter [tilespmem:s31], [sflag:$0x11], $0x2800, $0x38;
	[tilespmem:$0x1E800] =	vst v63  }
0x50: {  	_ =	swait.ge [sflag:s8], $0x2800  }
0x51: {  	[sflag:s8] =	ssyncset.done $0x0  }
0x52: {  	s14 =	rddreg [dreg:$0x19];
	[sflag:s8] =	ssyncadd.s32 $0xFFFFD800  }
0x53: {  	[spmem:s14] =	stream.linear.scatter [tilespmem:s31], [sflag:$0x11], $0x2800, $0x38;
	[tilespmem:$0x1E800] =	vst v63  }
0x54: {  	_ =	swait.ge [sflag:s8], $0x2800  }
0x55: {  	[sflag:s8] =	ssyncset.done $0x0  }
0x56: {  	s23 =	rddreg [dreg:$0x1a];
	[sflag:s8] =	ssyncadd.s32 $0xFFFFD800  }
0x57: {  	[spmem:s23] =	stream.linear.scatter [tilespmem:s31], [sflag:$0x11], $0x2800, $0x38;
	[tilespmem:$0x1E800] =	vst v63  }
0x58: {  	_ =	swait.ge [sflag:s8], $0x2800  }
0x59: {  	[sflag:s8] =	ssyncset.done $0x0  }
0x5a: {  	s24 =	rddreg [dreg:$0x1b];
	[sflag:s8] =	ssyncadd.s32 $0xFFFFD800  }
0x5b: {  	[spmem:s24] =	stream.linear.scatter [tilespmem:s31], [sflag:$0x11], $0x2800, $0x38;
	[tilespmem:$0x1E800] =	vst v63  }
0x5c: {  	_ =	swait.ge [sflag:s8], $0x2800  }
0x5d: {  	[sflag:s8] =	ssyncset.done $0x0  }
0x5e: {  	s25 =	rddreg [dreg:$0x1c];
	[sflag:s8] =	ssyncadd.s32 $0xFFFFD800  }
0x5f: {  	[spmem:s25] =	stream.linear.scatter [tilespmem:s31], [sflag:$0x11], $0x2800, $0x38;
	[tilespmem:$0x1E800] =	vst v63  }
0x60: {  	_ =	swait.ge [sflag:s8], $0x2800  }
0x61: {  	[sflag:s8] =	ssyncset.done $0x0  }
0x62: {  	s26 =	rddreg [dreg:$0x1d];
	[sflag:s8] =	ssyncadd.s32 $0xFFFFD800  }
0x63: {  	[spmem:s26] =	stream.linear.scatter [tilespmem:s31], [sflag:$0x11], $0x2800, $0x38;
	[tilespmem:$0x1E800] =	vst v63  }
0x64: {  	_ =	swait.ge [sflag:s8], $0x2800  }
0x65: {  	[sflag:s8] =	ssyncset.done $0x0  }
.Ltmp4:
0x66: {  	s28 =	rddreg [dreg:$0x1e];
	[sflag:s8] =	ssyncadd.s32 $0xFFFFD800;
	(pc) =	sbr.rel .LBB2_6-.Ltmp4, $4  }
0x67: {  	[spmem:s28] =	stream.linear.scatter [tilespmem:s31], [sflag:$0x11], $0x2800, $0x38;
	[tilespmem:$0x1E800] =	vst v63  }
0x68: {  	_ =	swait.ge [sflag:s8], $0x2800  }
0x69: {  	[sflag:s8] =	ssyncset.done $0x0  }
0x6a: {  	[sflag:s8] =	ssyncadd.s32 $0xFFFFD800  }
.LBB2_2:
0x6b: {  	s0 =	rddreg [dreg:$0x5]  }
0x6c: {  	s23 =	simm.s32 @p1 $0x1FD1;
	s8 =	rddreg [dreg:$0x17]  }
0x6d: {  	[spmem:s8], [sflag:s23] =	dma.local @p1 [hbm:s0], $0x1900  }
0x6e: {  	s23 =	simm.s32 @p1 $0x11  }
0x6f: {  	s0 =	stileid.u32;
	_ =	swait.ge @p1 [sflag:s23], $0x1900  }
0x70: {  	s24 =	sshll.u32 @!p1 s0, $0x6;
	[sflag:s23] =	ssyncset.done @p1 $0x0;
	s0 =	rddreg [dreg:$0x4]  }
0x71: {  	[sflag:s23] =	ssyncadd.s32 @p1 $0xFFFFE700;
	s23 =	sor.u32 @!p1 $0x1C11, s24;
	s24 =	sshrl.u32 @!p1 s14, $0x3  }
0x72: {  	[spmem:s24], [sflag:s23] =	dma.local @!p1 [hbm:s0], $0x2800  }
0x73: {  	s23 =	simm.s32 @!p1 $0x11  }
0x74: {  	_ =	swait.ge @!p1 [sflag:s23], $0x2800  }
0x75: {  	[sflag:s23] =	ssyncset.done @!p1 $0x0  }
0x76: {  	[sflag:s23] =	ssyncadd.s32 @!p1 $0xFFFFD800  }
.LBB2_6:
0x77: {  	[bflag:$0x0] =	sbarrier.arrive $0xFFFF  }
0x78: {  	s23 =	simm.s32 $0x0;
	s0 =	rddreg [dreg:$0x6]  }
0x79: {  	[tilespmem:s23], [sflag:$0x1] =	stream.linear.gather [hbm4b:s0+s23], $0x50, $0x38;
	[tilespmem:$0x1E800] =	vst v63  }
0x7a: {  	s8 =	simm.s32 $0x400;
	s14 =	rddreg [dreg:$0x7]  }
0x7b: {  	[tilespmem:s8], [sflag:$0x1] =	stream.linear.gather [hbm4b:s14+s23], $0x50, $0x38;
	[tilespmem:$0x1E800] =	vst v63  }
0x7c: {  	s25 =	simm.s32 $0x80;
	s24 =	rddreg [dreg:$0x8]  }
0x7d: {  	[tilespmem:s25], [sflag:$0x2] =	stream.linear.gather [hbm4b:s24+s23], $0x50, $0x38;
	[tilespmem:$0x1E800] =	vst v63  }
0x7e: {  	s28 =	simm.s32 $0x480;
	s26 =	rddreg [dreg:$0x9]  }
0x7f: {  	[tilespmem:s28], [sflag:$0x2] =	stream.linear.gather [hbm4b:s26+s23], $0x50, $0x38;
	[tilespmem:$0x1E800] =	vst v63  }
0x80: {  	s10 =	simm.s32 $0x100;
	s8 =	rddreg [dreg:$0xa]  }
0x81: {  	[tilespmem:s10], [sflag:$0x3] =	stream.linear.gather [hbm4b:s8+s23], $0x50, $0x38;
	[tilespmem:$0x1E800] =	vst v63  }
0x82: {  	s13 =	rddreg [dreg:$0xb];
	s14 =	simm.s32 $0x500  }
0x83: {  	[tilespmem:s14], [sflag:$0x3] =	stream.linear.gather [hbm4b:s13+s23], $0x50, $0x38;
	[tilespmem:$0x1E800] =	vst v63  }
.Ltmp5:
0x84: {  	s24 =	rddreg [dreg:$0xc];
	(pc) =	sbr.rel .LBB2_7-.Ltmp5, $4  }
0x85: {  	s25 =	simm.s32 $0x180;
	s26 =	rddreg [dreg:$0xe];
	s28 =	simm.s32 $0x580  }
0x86: {  	[tilespmem:s25], [sflag:$0x4] =	stream.linear.gather [hbm4b:s24+s23], $0x50, $0x38;
	[tilespmem:$0x1E800] =	vst v63  }
0x87: {  	s10 =	simm.s32 $0x200;
	s24 =	simm.s32 $0x280;
	s25 =	simm.s32 $0x7  }
0x88: {  	[tilespmem:s28], [sflag:$0x4] =	stream.linear.gather [hbm4b:s26+s23], $0x50, $0x38;
	[tilespmem:$0x1E800] =	vst v63  }
.LBB2_13:
0x89: {  	_ =	swait.ge [sflag:s9], $0x50  }
0x8a: {  	[sflag:s9] =	ssyncset.done $0x0  }
0x8b: {  	[sflag:s9] =	ssyncadd.s32 $0xFFFFFFB0  }
0x8c: {  	_ =	swait.ge [sflag:s9], $0x50  }
0x8d: {  	[sflag:s9] =	ssyncset.done $0x0  }
0x8e: {  	s0 =	simm.s32 $0x180;
	s10 =	simm.s32 $0xA;
	[sflag:s9] =	ssyncadd.s32 $0xFFFFFFB0  }
0x8f: {  	[tilespmem:s29], [sflag:$0xC] =	stream.indirect.gather [hbm4b:s4+s16], $0x80, s0, s16, $0xb8;
	[tilespmem:$0x1E800] =	vst v63  }
0x90: {  	_ =	swait.ge [sflag:s10], $0x2800  }
0x91: {  	[sflag:s10] =	ssyncset.done $0x0  }
0x92: {  	s13 =	simm.s32 $0x480;
	[sflag:s10] =	ssyncadd.s32 $0xFFFFD800;
	s10 =	simm.s32 $0x3000  }
0x93: {  	[spmem:s1] =	stream.indirect.scatter.add.f32 [tilespmem:s10], [sflag:$0xE], $0x80, s13, s16, $0xb8;
	[tilespmem:$0x1E800] =	vst v63  }
0x94: {  	_ =	swait.ge [sflag:s30], $0x2800  }
0x95: {  	p4 =	seq.s32 s23, $0x4B0;
	s0 =	rddreg [dreg:$0xd]  }
0x96: {  	s13 =	sadd.s32 @!p4 s24, s0  }
0x97: {  	[sflag:s30] =	ssyncset.done $0x0;
	s13 =	sshrl.u32 @!p4 s13, $0x3  }
0x98: {  	s26 =	simm.s32 @!p4 $0x0;
	[sflag:s30] =	ssyncadd.s32 $0xFFFFD800;
	s28 =	sadd.s32 @!p4 s5, s13  }
0x99: {  	[tilespmem:s26], [sflag:$0x1] =	stream.linear.gather @!p4 [hbm4b:s28+s26], $0x50, $0x38;
	[tilespmem:$0x1E800] =	vst v63  }
0x9a: {  	s13 =	sadd.s32 @!p4 s6, s13;
	s28 =	simm.s32 @!p4 $0x400  }
0x9b: {  	[tilespmem:s28], [sflag:$0x1] =	stream.linear.gather @!p4 [hbm4b:s13+s26], $0x50, $0x38;
	[tilespmem:$0x1E800] =	vst v63  }
0x9c: {  	_ =	swait.ge [sflag:s17], $0x50  }
0x9d: {  	[sflag:s17] =	ssyncset.done $0x0  }
0x9e: {  	[sflag:s17] =	ssyncadd.s32 $0xFFFFFFB0  }
0x9f: {  	_ =	swait.ge [sflag:s17], $0x50  }
0xa0: {  	[sflag:s17] =	ssyncset.done $0x0  }
0xa1: {  	[sflag:s17] =	ssyncadd.s32 $0xFFFFFFB0  }
0xa2: {  	[tilespmem:s31], [sflag:$0x9] =	stream.indirect.gather [hbm4b:s4+s16], $0x80, s8, s16, $0xb8;
	[tilespmem:$0x1E800] =	vst v63  }
0xa3: {  	_ =	swait.ge [sflag:s2], $0x2800  }
0xa4: {  	[sflag:s2] =	ssyncset.done $0x0  }
0xa5: {  	s14 =	simm.s32 $0x500;
	s28 =	simm.s32 $0x5800;
	[sflag:s2] =	ssyncadd.s32 $0xFFFFD800  }
0xa6: {  	[spmem:s1] =	stream.indirect.scatter.add.f32 [tilespmem:s28], [sflag:$0xF], $0x80, s14, s16, $0xb8;
	[tilespmem:$0x1E800] =	vst v63  }
0xa7: {  	_ =	swait.ge [sflag:s11], $0x2800  }
0xa8: {  	s28 =	simm.s32 @!p4 $0x80;
	[sflag:s11] =	ssyncset.done $0x0;
	s0 =	rddreg [dreg:$0x16]  }
0xa9: {  	[sflag:s11] =	ssyncadd.s32 $0xFFFFD800;
	s13 =	sadd.s32 @!p4 s23, s0;
	s0 =	rddreg [dreg:$0x15]  }
0xaa: {  	[tilespmem:s28], [sflag:$0x2] =	stream.linear.gather @!p4 [hbm4b:s13+s26], $0x50, $0x38;
	[tilespmem:$0x1E800] =	vst v63  }
0xab: {  	s13 =	sadd.s32 @!p4 s23, s0;
	s28 =	simm.s32 @!p4 $0x480  }
0xac: {  	[tilespmem:s28], [sflag:$0x2] =	stream.linear.gather @!p4 [hbm4b:s13+s26], $0x50, $0x38;
	[tilespmem:$0x1E800] =	vst v63  }
0xad: {  	s13 =	simm.s32 @p2 $0x6  }
0xae: {  	_ =	swait.ge @p2 [sflag:s13], $0x50  }
0xaf: {  	[sflag:s13] =	ssyncset.done @p2 $0x0  }
0xb0: {  	[sflag:s13] =	ssyncadd.s32 @p2 $0xFFFFFFB0  }
0xb1: {  	_ =	swait.ge @p2 [sflag:s13], $0x50  }
0xb2: {  	s14 =	simm.s32 @p2 $0x3000;
	[sflag:s13] =	ssyncset.done @p2 $0x0  }
0xb3: {  	s28 =	simm.s32 @p2 $0x280;
	[sflag:s13] =	ssyncadd.s32 @p2 $0xFFFFFFB0;
	s13 =	simm.s32 @p2 $0x50  }
0xb4: {  	[tilespmem:s14], [sflag:$0xA] =	stream.indirect.gather @p2 [hbm4b:s4+s13], $0x80, s28, s13, $0xb8;
	[tilespmem:$0x1E800] =	vst v63  }
0xb5: {  	_ =	swait.ge [sflag:s12], $0x2800  }
0xb6: {  	[sflag:s12] =	ssyncset.done $0x0  }
0xb7: {  	s8 =	simm.s32 $0x580;
	[sflag:s12] =	ssyncadd.s32 $0xFFFFD800  }
0xb8: {  	[spmem:s1] =	stream.indirect.scatter.add.f32 [tilespmem:s29], [sflag:$0x10], $0x80, s8, s16, $0xb8;
	[tilespmem:$0x1E800] =	vst v63  }
0xb9: {  	_ =	swait.ge [sflag:s18], $0x2800  }
0xba: {  	s8 =	simm.s32 @!p4 $0x100;
	[sflag:s18] =	ssyncset.done $0x0;
	s0 =	rddreg [dreg:$0x14]  }
0xbb: {  	[sflag:s18] =	ssyncadd.s32 $0xFFFFD800;
	s28 =	sadd.s32 @!p4 s23, s0;
	s0 =	rddreg [dreg:$0x13]  }
0xbc: {  	[tilespmem:s8], [sflag:$0x3] =	stream.linear.gather @!p4 [hbm4b:s28+s26], $0x50, $0x38;
	[tilespmem:$0x1E800] =	vst v63  }
0xbd: {  	s8 =	sadd.s32 @!p4 s23, s0;
	s28 =	simm.s32 @!p4 $0x500  }
0xbe: {  	[tilespmem:s28], [sflag:$0x3] =	stream.linear.gather @!p4 [hbm4b:s8+s26], $0x50, $0x38;
	[tilespmem:$0x1E800] =	vst v63  }
0xbf: {  	s8 =	simm.s32 @p3 $0x7  }
0xc0: {  	_ =	swait.ge @p3 [sflag:s8], $0x50  }
0xc1: {  	[sflag:s8] =	ssyncset.done @p3 $0x0  }
0xc2: {  	[sflag:s8] =	ssyncadd.s32 @p3 $0xFFFFFFB0  }
0xc3: {  	_ =	swait.ge @p3 [sflag:s8], $0x50  }
0xc4: {  	s0 =	simm.s32 @p3 $0x5800;
	[sflag:s8] =	ssyncset.done @p3 $0x0  }
0xc5: {  	s28 =	simm.s32 @p3 $0x300;
	[sflag:s8] =	ssyncadd.s32 @p3 $0xFFFFFFB0;
	s8 =	simm.s32 @p3 $0x50  }
0xc6: {  	[tilespmem:s0], [sflag:$0xB] =	stream.indirect.gather @p3 [hbm4b:s4+s8], $0x80, s28, s8, $0xb8;
	[tilespmem:$0x1E800] =	vst v63  }
0xc7: {  	_ =	swait.ge [sflag:s19], $0x2800  }
0xc8: {  	[sflag:s19] =	ssyncset.done $0x0  }
0xc9: {  	s28 =	simm.s32 $0x600;
	[sflag:s19] =	ssyncadd.s32 $0xFFFFD800  }
0xca: {  	[spmem:s1] =	stream.indirect.scatter.add.f32 [tilespmem:s31], [sflag:$0xD], $0x80, s28, s16, $0xb8;
	[tilespmem:$0x1E800] =	vst v63  }
0xcb: {  	_ =	swait.ge [sflag:s22], $0x2800  }
0xcc: {  	[sflag:s22] =	ssyncset.done $0x0;
	s0 =	rddreg [dreg:$0x12]  }
0xcd: {  	s8 =	simm.s32 @!p4 $0x180;
	[sflag:s22] =	ssyncadd.s32 $0xFFFFD800;
	s0 =	sadd.s32 @!p4 s23, s0  }
0xce: {  	[tilespmem:s8], [sflag:$0x4] =	stream.linear.gather @!p4 [hbm4b:s0+s26], $0x50, $0x38;
	[tilespmem:$0x1E800] =	vst v63  }
0xcf: {  	s0 =	rddreg [dreg:$0x11]  }
0xd0: {  	s8 =	simm.s32 @!p4 $0x580;
	s0 =	sadd.s32 @!p4 s23, s0  }
0xd1: {  	[tilespmem:s8], [sflag:$0x4] =	stream.linear.gather @!p4 [hbm4b:s0+s26], $0x50, $0x38;
	[tilespmem:$0x1E800] =	vst v63  }
0xd2: {  	s0 =	simm.s32 @p5 $0x8  }
0xd3: {  	_ =	swait.ge @p5 [sflag:s0], $0x50  }
0xd4: {  	[sflag:s0] =	ssyncset.done @p5 $0x0  }
0xd5: {  	[sflag:s0] =	ssyncadd.s32 @p5 $0xFFFFFFB0  }
0xd6: {  	_ =	swait.ge @p5 [sflag:s0], $0x50  }
0xd7: {  	s8 =	simm.s32 @p5 $0x380;
	[sflag:s0] =	ssyncset.done @p5 $0x0  }
0xd8: {  	s26 =	simm.s32 @p5 $0x8000;
	[sflag:s0] =	ssyncadd.s32 @p5 $0xFFFFFFB0;
	s0 =	simm.s32 @p5 $0x50  }
0xd9: {  	[tilespmem:s26], [sflag:$0xC] =	stream.indirect.gather @p5 [hbm4b:s4+s0], $0x80, s8, s0, $0xb8;
	[tilespmem:$0x1E800] =	vst v63  }
0xda: {  	s0 =	simm.s32 @p2 $0xA  }
0xdb: {  	_ =	swait.ge @p2 [sflag:s0], $0x2800  }
0xdc: {  	[sflag:s0] =	ssyncset.done @p2 $0x0  }
0xdd: {  	s23 =	sadd.s32 $0x50, s23;
	[sflag:s0] =	ssyncadd.s32 @p2 $0xFFFFD800;
	s0 =	simm.s32 @p2 $0x680  }
0xde: {  	[spmem:s1] =	stream.indirect.scatter.add.f32 @p2 [tilespmem:s14], [sflag:$0xE], $0x80, s0, s13, $0xb8;
	[tilespmem:$0x1E800] =	vst v63  }
0xdf: {  	p2 =	sne.s32 s23, $0x500  }
.Ltmp6:
0xe0: {  	_ = 	snop;
	(pc) =	sbr.rel @!p2 .LBB2_14-.Ltmp6, $2  }
0xe1: {  	_ =	sdelay $0x2  }
0xe2: {  	s25 =	sadd.s32 $0x8, s25;
	s10 =	simm.s32 $0x200;
	s24 =	sadd.s32 $0x280, s24  }
.LBB2_7:
0xe3: {  	p4 =	seq.s32 s23, $0x0  }
0xe4: {  	s26 =	sadd.s32 @!p4 $0xFFFFFEC0, s24  }
0xe5: {  	s28 =	simm.s32 @!p4 $0xD;
	s26 =	simm.s32 @p4 $0x140  }
0xe6: {  	_ =	swait.ge @!p4 [sflag:s28], $0x2800;
	s26 =	sadd.s32 s7, s26  }
0xe7: {  	[sflag:s28] =	ssyncset.done @!p4 $0x0;
	s26 =	sshrl.u32 s26, $0x3  }
0xe8: {  	[sflag:s28] =	ssyncadd.s32 @!p4 $0xFFFFD800;
	s14 =	sadd.s32 s5, s26  }
0xe9: {  	[tilespmem:s10], [sflag:$0x5] =	stream.linear.gather [hbm4b:s14+s3], $0x50, $0x38;
	[tilespmem:$0x1E800] =	vst v63  }
0xea: {  	s0 =	simm.s32 $0x600;
	s26 =	sadd.s32 s6, s26  }
0xeb: {  	[tilespmem:s0], [sflag:$0x5] =	stream.linear.gather [hbm4b:s26+s3], $0x50, $0x38;
	[tilespmem:$0x1E800] =	vst v63  }
0xec: {  	_ =	swait.ge [sflag:s15], $0x50  }
0xed: {  	[sflag:s15] =	ssyncset.done $0x0  }
0xee: {  	[sflag:s15] =	ssyncadd.s32 $0xFFFFFFB0  }
0xef: {  	s28 =	sadd.s32 $0xFFFFFFF7, s25;
	_ =	swait.ge [sflag:s15], $0x50  }
0xf0: {  	p2 =	sgt.u32 s28, $0x7C;
	[sflag:s15] =	ssyncset.done $0x0  }
0xf1: {  	s26 =	simm.s32 @!p2 $0xB;
	[sflag:s15] =	ssyncadd.s32 $0xFFFFFFB0  }
0xf2: {  	[tilespmem:s31], [sflag:$0x9] =	stream.indirect.gather [hbm4b:s4+s16], $0x80, s3, s16, $0xb8;
	[tilespmem:$0x1E800] =	vst v63  }
0xf3: {  	_ =	swait.ge @!p2 [sflag:s26], $0x2800  }
0xf4: {  	s28 =	simm.s32 @!p2 $0x700;
	[sflag:s26] =	ssyncset.done @!p2 $0x0  }
0xf5: {  	s13 =	simm.s32 @!p2 $0x5800;
	[sflag:s26] =	ssyncadd.s32 @!p2 $0xFFFFD800;
	s26 =	simm.s32 @!p2 $0x50  }
0xf6: {  	[spmem:s1] =	stream.indirect.scatter.add.f32 @!p2 [tilespmem:s13], [sflag:$0xF], $0x80, s28, s26, $0xb8;
	[tilespmem:$0x1E800] =	vst v63  }
0xf7: {  	s26 =	sadd.s32 @!p4 $0xFFFFFFFE, s25  }
0xf8: {  	p2 =	sgt.u32 @!p4 s26, $0x7C  }
0xf9: {  	p5 =	por p4, !p2  }
.Ltmp7:
0xfa: {  	_ = 	snop;
	(pc) =	sbr.rel @!p5 .LBB2_9-.Ltmp7, $4  }
0xfb: {  	s13 =	simm.s32 @!p4 $0xE  }
0xfc: {  	_ =	swait.ge @!p4 [sflag:s13], $0x2800  }
0xfd: {  	s8 =	simm.s32 $0x200;
	[sflag:s13] =	ssyncset.done @!p4 $0x0  }
0xfe: {  	p3 =	por @!p4 $0x0, $0x0;
	p2 =	por @!p4 $0x0, $0x0;
	[sflag:s13] =	ssyncadd.s32 @!p4 $0xFFFFD800  }
0xff: {  	s26 =	simm.s32 @p4 $0x5  }
0x100: {  	s13 =	smul.u32 $0x50, s26;
	_ =	sdelay $0x1  }
0x101: {  	s13 =	sadd.s32 s7, s13  }
0x102: {  	s13 =	sshrl.u32 s13, $0x3  }
0x103: {  	s0 =	simm.s32 $0x280;
	s14 =	sadd.s32 s5, s13  }
0x104: {  	[tilespmem:s0], [sflag:$0x6] =	stream.linear.gather [hbm4b:s14+s3], $0x50, $0x38;
	[tilespmem:$0x1E800] =	vst v63  }
0x105: {  	s28 =	simm.s32 $0x680;
	p2 =	por $0x1, $0x1;
	s13 =	sadd.s32 s6, s13  }
0x106: {  	[tilespmem:s28], [sflag:$0x6] =	stream.linear.gather [hbm4b:s13+s3], $0x50, $0x38;
	[tilespmem:$0x1E800] =	vst v63  }
.LBB2_9:
0x107: {  	_ =	swait.ge [sflag:s21], $0x50  }
0x108: {  	[sflag:s21] =	ssyncset.done $0x0  }
0x109: {  	[sflag:s21] =	ssyncadd.s32 $0xFFFFFFB0  }
0x10a: {  	s13 =	sadd.s32 $0xFFFFFFF8, s25;
	_ =	swait.ge [sflag:s21], $0x50  }
0x10b: {  	s0 =	simm.s32 $0x80;
	p5 =	sgt.u32 s13, $0x7C;
	[sflag:s21] =	ssyncset.done $0x0  }
0x10c: {  	s10 =	simm.s32 $0x3000;
	s13 =	simm.s32 @!p5 $0xC;
	[sflag:s21] =	ssyncadd.s32 $0xFFFFFFB0  }
0x10d: {  	[tilespmem:s10], [sflag:$0xA] =	stream.indirect.gather [hbm4b:s4+s16], $0x80, s0, s16, $0xb8;
	[tilespmem:$0x1E800] =	vst v63  }
0x10e: {  	_ =	swait.ge @!p5 [sflag:s13], $0x2800  }
0x10f: {  	s26 =	simm.s32 @!p5 $0x780;
	[sflag:s13] =	ssyncset.done @!p5 $0x0  }
0x110: {  	s28 =	simm.s32 @!p5 $0x8000;
	[sflag:s13] =	ssyncadd.s32 @!p5 $0xFFFFD800;
	s13 =	simm.s32 @!p5 $0x50  }
0x111: {  	[spmem:s1] =	stream.indirect.scatter.add.f32 @!p5 [tilespmem:s28], [sflag:$0x10], $0x80, s26, s13, $0xb8;
	[tilespmem:$0x1E800] =	vst v63  }
0x112: {  	s26 =	sadd.s32 @!p4 $0xFFFFFFFF, s25  }
0x113: {  	p5 =	sgt.u32 @!p4 s26, $0x7C  }
0x114: {  	p5 =	por p4, !p5  }
.Ltmp8:
0x115: {  	_ = 	snop;
	(pc) =	sbr.rel @!p5 .LBB2_11-.Ltmp8, $4  }
0x116: {  	s13 =	simm.s32 @!p4 $0xF  }
0x117: {  	_ =	swait.ge @!p4 [sflag:s13], $0x2800  }
0x118: {  	[sflag:s13] =	ssyncset.done @!p4 $0x0  }
0x119: {  	[sflag:s13] =	ssyncadd.s32 @!p4 $0xFFFFD800  }
0x11a: {  	s26 =	simm.s32 @p4 $0x6  }
0x11b: {  	s13 =	smul.u32 $0x50, s26;
	_ =	sdelay $0x1  }
0x11c: {  	s13 =	sadd.s32 s7, s13  }
0x11d: {  	s13 =	sshrl.u32 s13, $0x3  }
0x11e: {  	s0 =	simm.s32 $0x300;
	s14 =	sadd.s32 s5, s13  }
0x11f: {  	[tilespmem:s0], [sflag:$0x7] =	stream.linear.gather [hbm4b:s14+s3], $0x50, $0x38;
	[tilespmem:$0x1E800] =	vst v63  }
0x120: {  	s28 =	simm.s32 $0x700;
	p3 =	por $0x1, $0x1;
	s13 =	sadd.s32 s6, s13  }
0x121: {  	[tilespmem:s28], [sflag:$0x7] =	stream.linear.gather [hbm4b:s13+s3], $0x50, $0x38;
	[tilespmem:$0x1E800] =	vst v63  }
.LBB2_11:
0x122: {  	_ =	swait.ge [sflag:s20], $0x50  }
0x123: {  	[sflag:s20] =	ssyncset.done $0x0  }
0x124: {  	[sflag:s20] =	ssyncadd.s32 $0xFFFFFFB0  }
0x125: {  	_ =	swait.ge [sflag:s20], $0x50  }
0x126: {  	[sflag:s20] =	ssyncset.done $0x0  }
0x127: {  	s0 =	simm.s32 $0x100;
	s10 =	simm.s32 $0x5800;
	[sflag:s20] =	ssyncadd.s32 $0xFFFFFFB0  }
0x128: {  	[tilespmem:s10], [sflag:$0xB] =	stream.indirect.gather [hbm4b:s4+s16], $0x80, s0, s16, $0xb8;
	[tilespmem:$0x1E800] =	vst v63  }
0x129: {  	p5 =	sgt.u32 @!p4 s25, $0x7C;
	_ =	swait.ge [sflag:s19], $0x2800  }
0x12a: {  	s28 =	simm.s32 $0x400;
	p6 =	por p4, !p5;
	[sflag:s19] =	ssyncset.done $0x0  }
.Ltmp9:
0x12b: {  	s13 =	simm.s32 @!p4 $0x10;
	[sflag:s19] =	ssyncadd.s32 $0xFFFFD800;
	(pc) =	sbr.rel @!p6 .LBB2_13-.Ltmp9, $4  }
0x12c: {  	[spmem:s1] =	stream.indirect.scatter.add.f32 [tilespmem:s31], [sflag:$0xD], $0x80, s28, s16, $0xb8;
	[tilespmem:$0x1E800] =	vst v63  }
0x12d: {  	_ =	swait.ge @!p4 [sflag:s13], $0x2800  }
0x12e: {  	[sflag:s13] =	ssyncset.done @!p4 $0x0  }
0x12f: {  	p5 =	por @!p4 $0x0, $0x0;
	[sflag:s13] =	ssyncadd.s32 @!p4 $0xFFFFD800  }
0x130: {  	s13 =	smov.u32 s25  }
0x131: {  	s13 =	simm.s32 @p4 $0x7  }
0x132: {  	s13 =	smul.u32 $0x50, s13;
	_ =	sdelay $0x1  }
0x133: {  	s13 =	sadd.s32 s7, s13  }
.Ltmp10:
0x134: {  	s13 =	sshrl.u32 s13, $0x3;
	(pc) =	sbr.rel .LBB2_13-.Ltmp10, $4  }
0x135: {  	s0 =	simm.s32 $0x380;
	s26 =	sadd.s32 s5, s13  }
0x136: {  	[tilespmem:s0], [sflag:$0x8] =	stream.linear.gather [hbm4b:s26+s3], $0x50, $0x38;
	[tilespmem:$0x1E800] =	vst v63  }
0x137: {  	s28 =	simm.s32 $0x780;
	p5 =	por $0x1, $0x1;
	s13 =	sadd.s32 s6, s13  }
0x138: {  	[tilespmem:s28], [sflag:$0x8] =	stream.linear.gather [hbm4b:s13+s3], $0x50, $0x38;
	[tilespmem:$0x1E800] =	vst v63  }
.LBB2_15:
0x139: {  	_ =	sfence.sel $0x180000  }
0x13a: {  	[bflag:$0x0] =	sbarrier.arrive $0xFFFF  }
0x13b: {  	_ =	strace $0x9000004A  }
0x13c: {  	s0 =	stileid.u32;
	[bflag:$0x2] =	sbarrier.arrive $0xFFFF  }
0x13d: {  	p0 =	sne.s32 s0, $0x0;
	s0 =	rddreg [dreg:$0x2]  }
0x13e: {  	s0 =	sadd.s32 @!p0 $0x100000, s0  }
0x13f: {  	[sflag:s0] =	ssyncadd.tile.s32 @!p0 $0x1;
	_ =	shalt  }
.Lfunc_end2:
_tile_overlayer_lowered:
.L_overlay_start_2:
0x140: {  	(tag) =	ssettag $0x2  }
0x141: {  	s0 =	rddreg [dreg:$0x0];
	s2 =	stileid.u32  }
0x142: {  	s1 =	rddreg [dreg:$0x1];
	p0 =	sne.s32 s2, $0x0  }
0x143: {  	s3 =	rddreg [dreg:$0x2];
	[bflag:$0x3] =	sbarrier.arrive $0xFFFF;
	s2 =	simm.s32 @!p0 $0x1C11  }
0x144: {  	[timem:s3], [sflag:s2] =	dma.local @!p0 [hbm:s0], s1  }
0x145: {  	s0 =	simm.s32 @!p0 $0x11  }
0x146: {  	_ =	swait.ge @!p0 [sflag:s0], s1  }
0x147: {  	s1 =	ssub.s32 @!p0 $0x0, s1;
	[sflag:s0] =	ssyncset.done @!p0 $0x0  }
0x148: {  	[sflag:s0] =	ssyncadd.s32 @!p0 s1  }
0x149: {  	[bflag:$0x3] =	sbarrier.arrive $0xFFFF  }
0x14a: {  	_ =	shalt  }

// kernel: kernel.7.cloned.1.call-start
scs
__scs_entry_jumppad:
0x0: {  	(pc) =	sbr.rel $0x88, $3  }
0x1: {  	(tag) =	ssettag $0x0;
	lr =	simm.s32 $0x1  }
0x2: {  	[smem:$0x3F98] =	sst lr;
	_ =	strace $0xD0000000  }
0x3: {  	_ = 	snop  }
0x4: {  	_ = 	snop  }
0x5: {  	_ = 	snop  }
0x6: {  	_ = 	snop  }
0x7: {  	_ = 	snop  }
__scs_overlays_trampoline_lowered:
0x8: {  	[smem:$0x3FA7] =	sst s0  }
0x9: {  	[smem:$0x3FA8] =	sst s1  }
0xa: {  	[smem:$0x3FA9] =	sst s2  }
0xb: {  	[smem:$0x3FAA] =	sst s3  }
0xc: {  	[smem:$0x3FAB] =	sst s4  }
0xd: {  	[smem:$0x3FAC] =	sst s5  }
0xe: {  	[smem:$0x3FAD] =	sst s6  }
0xf: {  	[smem:$0x3FAE] =	sst s7  }
0x10: {  	[smem:$0x3FAF] =	sst s8  }
0x11: {  	[smem:$0x3FB0] =	sst s9;
	s0 =	simm.s32 @!p0 $0x0  }
0x12: {  	s1 =	sld [smem:$0x3F96];
	s0 =	simm.s32 @p0 $0x1  }
0x13: {  	[smem:$0x3FB1] =	sst s0;
	s0 =	simm.s32 @!p1 $0x0  }
0x14: {  	s2 =	sld [smem:$0x3F95];
	s0 =	simm.s32 @p1 $0x1  }
0x15: {  	[smem:$0x3FB2] =	sst s0;
	s0 =	simm.s32 @!p2 $0x0  }
0x16: {  	s3 =	sld [smem:$0x3FDB];
	s0 =	simm.s32 @p2 $0x1  }
0x17: {  	s4 =	simm.s32 $0x1BF5;
	[smem:$0x3FB4] =	sst s0  }
0x18: {  	s0 =	sld [smem:$0x3F97];
	_ =	swait.ge [sflag:s4], $0x0  }
0x19: {  	s7 =	sld [smem:$0x3F98]  }
0x1a: {  	s8 =	sadd.s32 $0xFFFFE003, lr  }
0x1b: {  	s9 =	sadd.s32 $0xFFFFFEF7, lr;
	s5 =	simm.s32 $0xFFFFFFFF;
	p2 =	slt.u32 s8, $0xFFFFF086  }
0x1c: {  	p1 =	slt.u32 s9, $0xF7A;
	s5 =	simm.s32 @!p2 $0x0  }
0x1d: {  	s5 =	simm.s32 @p1 $0x1;
	p0 =	seq.s32 s7, s2  }
0x1e: {  	s7 =	smul.u32 @!p0 $0xF7A, s2;
	p2 =	seq.s32 @!p0 s5, $0x0  }
0x1f: {  	s9 =	smul.u32 $0xF7A, s1;
	s8 =	simm.s32 @!p0 $0x1BF5;
	p2 =	por !p2, p0  }
0x20: {  	[sflag:s8] =	ssyncset.s32 @!p0 $0xFFFFF086;
	s6 =	sadd.s32 @!p0 s3, s7;
	s7 =	simm.s32 @!p0 $0x108  }
0x21: {  	s3 =	sadd.s32 s3, s9;
	s6 =	sadd.s32 @!p0 $0x88, s6;
	s7 =	simm.s32 @p2 $0x1082  }
0x22: {  	[simem:s7], [sflag:s8] =	dma.local @!p0 [hbm:s6], $0xF7A  }
0x23: {  	s9 =	sor.u32 $0xD0000000, s2;
	s6 =	simm.s32 $0x108;
	_ =	swait.ge @!p0 [sflag:s8], $0x0  }
0x24: {  	s3 =	sadd.s32 $0x88, s3;
	s6 =	simm.s32 @!p1 $0x1082;
	[sflag:s4] =	ssyncset.s32 $0xFFFFF086  }
0x25: {  	[simem:s6], [sflag:s4] =	dma.local [hbm:s3], $0xF7A  }
0x26: {  	[smem:$0x3F98] =	sst s1;
	(tag) =	ssettag s2;
	_ =	strace s9  }
0x27: {  	s1 =	sld [smem:$0x3FA8]  }
0x28: {  	s2 =	sld [smem:$0x3FA9]  }
0x29: {  	s4 =	sld [smem:$0x3FAB]  }
0x2a: {  	p0 =	seq.s32 s5, $0x0;
	s5 =	sld [smem:$0x3FAC]  }
0x2b: {  	s6 =	sld [smem:$0x3FAD]  }
0x2c: {  	s7 =	sld [smem:$0x3FAE]  }
0x2d: {  	s3 =	simm.s32 $0x108;
	s8 =	sld [smem:$0x3FAF]  }
0x2e: {  	s3 =	simm.s32 @!p0 $0x1082;
	s9 =	sld [smem:$0x3FB0]  }
0x2f: {  	lr =	sadd.s32 s0, s3;
	s0 =	sld [smem:$0x3FA7]  }
0x30: {  	s3 =	sld [smem:$0x3FAA]  }
0x31: {  	[smem:$0x3FB3] =	sst s10  }
0x32: {  	s10 =	sld [smem:$0x3FB1];
	_ =	sdelay $0x3  }
0x33: {  	p0 =	seq.s32 s10, $0x1;
	s10 =	sld [smem:$0x3FB3];
	_ =	sdelay $0x3  }
0x34: {  	[smem:$0x3FB3] =	sst s10  }
0x35: {  	s10 =	sld [smem:$0x3FB2];
	_ =	sdelay $0x3  }
0x36: {  	p1 =	seq.s32 s10, $0x1;
	s10 =	sld [smem:$0x3FB3];
	_ =	sdelay $0x3  }
0x37: {  	[smem:$0x3FB3] =	sst s10  }
0x38: {  	s10 =	sld [smem:$0x3FB4]  }
0x39: {  	_ = 	snop;
	(pc) =	sbr.ind lr, $3  }
0x3a: {  	_ = 	snop  }
0x3b: {  	_ = 	snop  }
0x3c: {  	p2 =	seq.s32 s10, $0x1;
	s10 =	sld [smem:$0x3FB3]  }
0x3d: {  	_ =	shalt  }
0x3e: {  	_ =	shalt  }
0x3f: {  	_ =	shalt  }
0x40: {  	_ =	shalt  }
0x41: {  	_ =	shalt  }
0x42: {  	_ =	shalt  }
0x43: {  	_ =	shalt  }
0x44: {  	_ =	shalt  }
0x45: {  	_ =	shalt  }
0x46: {  	_ =	shalt  }
0x47: {  	_ =	shalt  }
0x48: {  	_ =	shalt  }
0x49: {  	_ =	shalt  }
0x4a: {  	_ =	shalt  }
0x4b: {  	_ =	shalt  }
0x4c: {  	_ =	shalt  }
0x4d: {  	_ =	shalt  }
0x4e: {  	_ =	shalt  }
0x4f: {  	_ =	shalt  }
0x50: {  	_ =	shalt  }
0x51: {  	_ =	shalt  }
0x52: {  	_ =	shalt  }
0x53: {  	_ =	shalt  }
0x54: {  	_ =	shalt  }
0x55: {  	_ =	shalt  }
0x56: {  	_ =	shalt  }
0x57: {  	_ =	shalt  }
0x58: {  	_ =	shalt  }
0x59: {  	_ =	shalt  }
0x5a: {  	_ =	shalt  }
0x5b: {  	_ =	shalt  }
0x5c: {  	_ =	shalt  }
0x5d: {  	_ =	shalt  }
0x5e: {  	_ =	shalt  }
0x5f: {  	_ =	shalt  }
0x60: {  	_ =	shalt  }
0x61: {  	_ =	shalt  }
0x62: {  	_ =	shalt  }
0x63: {  	_ =	shalt  }
0x64: {  	_ =	shalt  }
0x65: {  	_ =	shalt  }
0x66: {  	_ =	shalt  }
0x67: {  	_ =	shalt  }
0x68: {  	_ =	shalt  }
0x69: {  	_ =	shalt  }
0x6a: {  	_ =	shalt  }
0x6b: {  	_ =	shalt  }
0x6c: {  	_ =	shalt  }
0x6d: {  	_ =	shalt  }
0x6e: {  	_ =	shalt  }
0x6f: {  	_ =	shalt  }
0x70: {  	_ =	shalt  }
0x71: {  	_ =	shalt  }
0x72: {  	_ =	shalt  }
0x73: {  	_ =	shalt  }
0x74: {  	_ =	shalt  }
0x75: {  	_ =	shalt  }
0x76: {  	_ =	shalt  }
0x77: {  	_ =	shalt  }
0x78: {  	_ =	shalt  }
0x79: {  	_ =	shalt  }
0x7a: {  	_ =	shalt  }
0x7b: {  	_ =	shalt  }
0x7c: {  	_ =	shalt  }
0x7d: {  	_ =	shalt  }
0x7e: {  	_ =	shalt  }
0x7f: {  	_ =	shalt  }
0x80: {  	_ =	shalt  }
0x81: {  	_ =	shalt  }
0x82: {  	_ =	shalt  }
0x83: {  	_ =	shalt  }
0x84: {  	_ =	shalt  }
0x85: {  	_ =	shalt  }
0x86: {  	_ =	shalt  }
0x87: {  	_ =	shalt  }
.Lfunc_end0:
.L_simem_size_0:
called_computation_lowered:
.L_overlay_start_0:
0x88: {  	s2 =	sld [smem:$0x3FD9]  }
0x89: {  	s3 =	sld [smem:$0x3FFE];
	_ =	sdelay $0x1  }
0x8a: {  	s1 =	srdreg.scid  }
0x8b: {  	s0 =	sand.u32 $0x1, s1  }
0x8c: {  	s16 =	sshll.u32 s0, $0xA;
	s2 =	sadd.s32 s3, s2  }
0x8d: {  	s2 =	sadd.s32 s2, s16  }
0x8e: {  	[smem:$0x3FBF] =	sst s2  }
0x8f: {  	_ = 	snop  }
0x90: {  	(tm) =	ssettm $0x1  }
0x91: {  	s17 =	sld [smem:$0x3FFB];
	_ =	sdelay $0x3  }
0x92: {  	_ =	strace s17  }
0x93: {  	s2 =	sld [smem:$0x3FFC];
	_ =	sdelay $0x3  }
0x94: {  	_ =	strace s2  }
0x95: {  	s2 =	sld [smem:$0x3FFD];
	_ =	sdelay $0x3  }
0x96: {  	_ =	strace s2  }
0x97: {  	_ =	strace $0x8FFFFFFF  }
0x98: {  	s18 =	sld [smem:$0x3FDB];
	_ =	sdelay $0x1  }
0x99: {  	s19 =	simm.s32 $_scs_section_size  }
0x9a: {  	s4 =	simm.s32 $_size__tile_overlayer_lowered;
	s5 =	simm.s32 $_tile_overlayer_lowered  }
0x9b: {  	s22 =	simm.s32 $0x1BFF;
	s21 =	sshll.u32 s5, $0x1;
	s2 =	sadd.s32 s19, s18  }
0x9c: {  	s6 =	simm.s32 $0x0;
	s20 =	sshll.u32 s4, $0x1;
	s4 =	sadd.s32 s21, s2  }
0x9d: {  	[timem:s6], [sflag:s22] =	dma.local [hbm:s4], s20  }
0x9e: {  	_ =	swait.ge [sflag:s22], s20  }
0x9f: {  	s3 =	ssub.s32 $0x0, s20;
	[sflag:s22] =	ssyncset.done $0x0  }
0xa0: {  	[sflag:s22] =	ssyncadd.s32 s3;
	_ =	sdelay $0x1  }
0xa1: {  	s23 =	simm.s32 $0x1B8B  }
0xa2: {  	_ =	swait.ge [sflag:s23], $0x1  }
0xa3: {  	[sflag:s23] =	ssyncset.done $0x0  }
0xa4: {  	s25 =	simm.s32 $0x1B8E;
	s24 =	sld [smem:$0x3FFE];
	[sflag:s23] =	ssyncadd.s32 $0xFFFFFFFF  }
0xa5: {  	s26 =	simm.s32 $execute0_lowered;
	[smem:$0x3FD2] =	sst s25  }
0xa6: {  	s4 =	sshll.u32 s26, $0x1;
	_ =	strace $0x80000046;
	[dreg:$0x1] =	wrdreg $0xFFFFFFFF  }
0xa7: {  	s28 =	simm.s32 $_size_execute0_lowered;
	s2 =	sadd.s32 s2, s4;
	[dreg:$0x0] =	wrdreg $0x0  }
0xa8: {  	s4 =	sshll.u32 s28, $0x1;
	[dreg:$0x2] =	wrdreg s2  }
0xa9: {  	[dreg:$0x3] =	wrdreg s4  }
0xaa: {  	[dreg:$0x4] =	wrdreg $0xC0  }
0xab: {  	_ =	task [dreg:s6], $0x5FFFF  }
0xac: {  	[dreg:$0x1] =	wrdreg $0xFFFFFFFF  }
0xad: {  	[dreg:$0x0] =	wrdreg $0x60  }
0xae: {  	[dreg:$0x2] =	wrdreg s24  }
0xaf: {  	[dreg:$0x3] =	wrdreg $0x5000  }
0xb0: {  	[dreg:$0x4] =	wrdreg $0x9  }
0xb1: {  	_ =	task.clear_ibuf [dreg:s6], $0x5FFFF;
	_ =	strace $0x90000046  }
0xb2: {  	s29 =	simm.s32 $0x9;
	_ =	strace $0x80000048  }
0xb3: {  	_ =	swait.ge [sflag:s29], $0x1  }
0xb4: {  	[sflag:s29] =	ssyncadd.s32 $0xFFFFFFFF  }
0xb5: {  	_ =	strace $0x90000048  }
0xb6: {  	_ =	sfence  }
0xb7: {  	s30 =	sld [smem:$0x0];
	_ =	sdelay $0x2  }
0xb8: {  	s31 =	sshll.u32 s1, $0xD;
	s1 =	sshrl.u32 s1, $0x2  }
0xb9: {  	s3 =	sand.u32 $0x4000, s31;
	s1 =	sadd.s32 s1, s30  }
0xba: {  	s0 =	sor.u32 s3, s0;
	s1 =	sshll.u32 s1, $0x11  }
0xbb: {  	s0 =	sor.u32 s1, s0  }
0xbc: {  	s0 =	sadd.s32 $0x8F2B, s0  }
0xbd: {  	[sflag:s0] =	ssyncadd.remote.s32 $0x1  }
0xbe: {  	_ =	sfence.sel $0xFFFF  }
0xbf: {  	[dreg:$0x0] =	wrdreg $0xFFFFFFFF;
	(pc) =	sbr.abs _section_cstart, $3  }
0xc0: {  	[dreg:$0x1] =	wrdreg $0xFFFFFFFF  }
0xc1: {  	_ =	task.clear_ibuf [dreg:s6], $0x2FFFF;
	_ =	strace $0x9FFFFFFF  }
0xc2: {  	(tm) =	ssettm $0x7FFFFFFF  }
0xc3: {  	_ =	shalt  }
tec
execute0_lowered:
.L_overlay_start_1:
0x0: {  	(tag) =	ssettag $0x1  }
0x1: {  	s0 =	rddreg [dreg:$0x0]  }
0x2: {  	s1 =	rddreg [dreg:$0x1];
	s3 =	simm.s32 $0x0;
	s2 =	srdreg.scid  }
0x3: {  	s9 =	stileid.u32;
	s28 =	simm.s32 $0x180;
	s29 =	simm.s32 $0x2  }
0x4: {  	s30 =	simm.s32 $0x5;
	s31 =	simm.s32 $0x3;
	s10 =	simm.s32 $0x10  }
0x5: {  	[smem:$0x7FF] =	sst s3;
	s2 =	sand.u32 $0x1, s2;
	s4 =	smul.u32 $0x500, s9  }
0x6: {  	s5 =	sshll.u32 s9, $0x1;
	s8 =	smul.u32 $0xA00, s9;
	s19 =	sadd.s32 $0x2200, s0  }
0x7: {  	s11 =	smul.u32 $0x4E20, s9;
	s9 =	simm.s32 $0x20;
	s6 =	sshll.u32 s2, $0x7  }
0x8: {  	s5 =	sor.u32 s2, s5;
	s16 =	ssub.s32 $0x2, s2;
	s2 =	smul.u32 $0x2710, s2  }
0x9: {  	_ =	strace $0x80000047;
	s4 =	sor.u32 s6, s4;
	s5 =	smul.u32 $0x2710, s5  }
0xa: {  	s7 =	sshrl.u32 s16, $0x1;
	s17 =	sshrl.u32 s8, $0x2;
	s4 =	sshrl.u32 s4, $0x3  }
0xb: {  	s6 =	ssub.s32 s16, s7;
	s23 =	sadd.s32 s2, s11;
	s0 =	sadd.s32 s4, s0  }
0xc: {  	s5 =	sshrl.u32 s5, $0x3;
	s4 =	sadd.s32 s17, s1;
	s20 =	smax.u32 s6, $0x1  }
0xd: {  	s2 =	sadd.s32 $0x280, s23;
	s24 =	sadd.s32 $0x2D0, s23;
	s25 =	sadd.s32 $0x230, s23  }
0xe: {  	s5 =	sadd.s32 s19, s5;
	s0 =	sadd.s32 $0x15E00, s0;
	[dreg:$0x5] =	wrdreg s20  }
0xf: {  	s2 =	sshrl.u32 s2, $0x3;
	s26 =	sshrl.u32 s25, $0x3;
	s25 =	simm.s32 $0x50  }
0x10: {  	s20 =	simm.s32 $0x0;
	s18 =	sadd.s32 $0xA, s5;
	[dreg:$0x4] =	wrdreg s0  }
0x11: {  	s21 =	sadd.s32 $0x14, s5;
	s22 =	sadd.s32 $0x1E, s5;
	s11 =	sadd.s32 $0x28, s5  }
0x12: {  	s12 =	sadd.s32 $0x32, s5;
	s13 =	sadd.s32 $0x4C4, s5;
	s14 =	sadd.s32 $0x4CE, s5  }
0x13: {  	s15 =	sadd.s32 $0x4D8, s5;
	s16 =	sadd.s32 s2, s19;
	[dreg:$0x3] =	wrdreg s18  }
0x14: {  	s2 =	sshrl.u32 s24, $0x3;
	s0 =	sadd.s32 $0x1E0, s23;
	[dreg:$0x6] =	wrdreg s21  }
0x15: {  	s23 =	simm.s32 $0x100;
	s24 =	simm.s32 $0x1;
	[dreg:$0x7] =	wrdreg s22  }
0x16: {  	s17 =	sadd.s32 s2, s19;
	s0 =	sshrl.u32 s0, $0x3;
	s18 =	sadd.s32 s26, s19  }
0x17: {  	s21 =	simm.s32 $0x7;
	s22 =	simm.s32 $0x80;
	s26 =	simm.s32 $0x200  }
0x18: {  	v0 =	vimm.f32 $1.000000000e+00;
	v1 =	vimm.f32 $0.0e+00;
	s2 =	simm.s32 $0x4;
	s19 =	sadd.s32 s0, s19;
	s0 =	simm.s32 $0x6  }
.LBB2_1:
0x19: {  	[tilespmem:$0x200] =	vst v0  }
0x1a: {  	[tilespmem:$0x210] =	vst v0  }
0x1b: {  	[tilespmem:$0x220] =	vst v0  }
0x1c: {  	[tilespmem:$0x230] =	vst v0  }
0x1d: {  	[tilespmem:$0x240] =	vst v0  }
0x1e: {  	[tilespmem:$0x280] =	vst v1  }
0x1f: {  	[tilespmem:$0x290] =	vst v1  }
0x20: {  	[tilespmem:$0x2A0] =	vst v1  }
0x21: {  	[tilespmem:$0x2B0] =	vst v1  }
0x22: {  	[tilespmem:$0x2C0] =	vst v1  }
0x23: {  	[tilespmem:$0x2D0] =	vst v1  }
0x24: {  	[tilespmem:$0x2E0] =	vst v1  }
0x25: {  	[tilespmem:$0x2F0] =	vst v1  }
0x26: {  	[tilespmem:$0x300] =	vst v1  }
0x27: {  	[tilespmem:$0x310] =	vst v1  }
0x28: {  	[tilespmem:$0x320] =	vst v1  }
0x29: {  	[tilespmem:$0x330] =	vst v1  }
0x2a: {  	[tilespmem:$0x340] =	vst v1  }
0x2b: {  	[tilespmem:$0x350] =	vst v1  }
0x2c: {  	[tilespmem:$0x360] =	vst v1  }
0x2d: {  	[tilespmem:$0x370] =	vst v1  }
0x2e: {  	[tilespmem:$0x380] =	vst v1  }
0x2f: {  	[tilespmem:$0x390] =	vst v1  }
0x30: {  	[tilespmem:$0x3A0] =	vst v1  }
0x31: {  	[tilespmem:$0x3B0] =	vst v1  }
0x32: {  	[tilespmem:$0x3C0] =	vst v1  }
0x33: {  	[tilespmem:$0x3D0] =	vst v1  }
0x34: {  	[tilespmem:$0x3E0] =	vst v1  }
0x35: {  	[tilespmem:$0x3F0] =	vst v1  }
0x36: {  	[tilespmem:$0x400] =	vst v1  }
0x37: {  	[tilespmem:$0x410] =	vst v1  }
0x38: {  	[tilespmem:$0x420] =	vst v1  }
0x39: {  	[tilespmem:$0x430] =	vst v1  }
0x3a: {  	[tilespmem:$0x440] =	vst v1  }
0x3b: {  	[tilespmem:$0x450] =	vst v1  }
0x3c: {  	[tilespmem:$0x460] =	vst v1  }
0x3d: {  	[tilespmem:$0x470] =	vst v1  }
0x3e: {  	[tilespmem:$0x480] =	vst v1  }
0x3f: {  	[tilespmem:$0x490] =	vst v1  }
0x40: {  	[tilespmem:$0x4A0] =	vst v1  }
0x41: {  	[tilespmem:$0x4B0] =	vst v1  }
0x42: {  	[tilespmem:$0x4C0] =	vst v1  }
0x43: {  	[tilespmem:$0x4D0] =	vst v1  }
0x44: {  	[tilespmem:$0x4E0] =	vst v1  }
0x45: {  	[tilespmem:$0x4F0] =	vst v1;
	s6 =	simm.s32 $0x280  }
0x46: {  	[spmem:s4] =	stream.linear.scatter [tilespmem:s6], [sflag:$0x7], $0x280, $0x38;
	[tilespmem:$0x780] =	vst v63  }
0x47: {  	_ =	swait.ge [sflag:s21], $0x280  }
0x48: {  	[sflag:s21] =	ssyncset.done $0x0  }
0x49: {  	[sflag:s21] =	ssyncadd.s32 $0xFFFFFD80  }
0x4a: {  	[bflag:$0x0] =	sbarrier.arrive $0xFFFF  }
0x4b: {  	[tilespmem:s3], [sflag:$0x1] =	stream.linear.gather [hbm4b:s5+s3], $0x50, $0x38;
	[tilespmem:$0x780] =	vst v63  }
0x4c: {  	s8 =	rddreg [dreg:$0x3]  }
0x4d: {  	[tilespmem:s22], [sflag:$0x2] =	stream.linear.gather [hbm4b:s8+s3], $0x50, $0x38;
	[tilespmem:$0x780] =	vst v63  }
0x4e: {  	s7 =	rddreg [dreg:$0x6]  }
0x4f: {  	[tilespmem:s23], [sflag:$0x3] =	stream.linear.gather [hbm4b:s7+s3], $0x50, $0x38;
	[tilespmem:$0x780] =	vst v63  }
0x50: {  	_ =	swait.ge [sflag:s24], $0x50  }
0x51: {  	[sflag:s24] =	ssyncset.done $0x0  }
0x52: {  	[sflag:s24] =	ssyncadd.s32 $0xFFFFFFB0  }
0x53: {  	[spmem:s1] =	stream.indirect.scatter.add.f32 [tilespmem:s26], [sflag:$0x5], $0x1, s3, s25, $0xb8;
	[tilespmem:$0x780] =	vst v63  }
0x54: {  	s8 =	rddreg [dreg:$0x7]  }
0x55: {  	[tilespmem:s28], [sflag:$0x4] =	stream.linear.gather [hbm4b:s8+s3], $0x50, $0x38;
	[tilespmem:$0x780] =	vst v63  }
0x56: {  	_ =	swait.ge [sflag:s29], $0x50  }
0x57: {  	[sflag:s29] =	ssyncset.done $0x0  }
0x58: {  	[sflag:s29] =	ssyncadd.s32 $0xFFFFFFB0  }
0x59: {  	[spmem:s1] =	stream.indirect.scatter.add.f32 [tilespmem:s26], [sflag:$0x6], $0x1, s22, s25, $0xb8;
	[tilespmem:$0x780] =	vst v63  }
0x5a: {  	_ =	swait.ge [sflag:s30], $0x50  }
0x5b: {  	[sflag:s30] =	ssyncset.done $0x0  }
0x5c: {  	[sflag:s30] =	ssyncadd.s32 $0xFFFFFFB0  }
0x5d: {  	[tilespmem:s3], [sflag:$0x1] =	stream.linear.gather [hbm4b:s11+s3], $0x50, $0x38;
	[tilespmem:$0x780] =	vst v63  }
0x5e: {  	_ =	swait.ge [sflag:s31], $0x50  }
0x5f: {  	[sflag:s31] =	ssyncset.done $0x0  }
0x60: {  	[sflag:s31] =	ssyncadd.s32 $0xFFFFFFB0  }
0x61: {  	[spmem:s1] =	stream.indirect.scatter.add.f32 [tilespmem:s26], [sflag:$0x5], $0x1, s23, s25, $0xb8;
	[tilespmem:$0x780] =	vst v63  }
0x62: {  	_ =	swait.ge [sflag:s0], $0x50  }
0x63: {  	[sflag:s0] =	ssyncset.done $0x0  }
0x64: {  	[sflag:s0] =	ssyncadd.s32 $0xFFFFFFB0  }
0x65: {  	[tilespmem:s22], [sflag:$0x2] =	stream.linear.gather [hbm4b:s12+s3], $0x50, $0x38;
	[tilespmem:$0x780] =	vst v63  }
0x66: {  	_ =	swait.ge [sflag:s2], $0x50  }
0x67: {  	[sflag:s2] =	ssyncset.done $0x0  }
0x68: {  	[sflag:s2] =	ssyncadd.s32 $0xFFFFFFB0  }
0x69: {  	[spmem:s1] =	stream.indirect.scatter.add.f32 [tilespmem:s26], [sflag:$0x6], $0x1, s28, s25, $0xb8;
	[tilespmem:$0x780] =	vst v63  }
0x6a: {  	_ =	swait.ge [sflag:s30], $0x50  }
0x6b: {  	[sflag:s30] =	ssyncset.done $0x0  }
0x6c: {  	s7 =	sadd.s32 $0x0, s19;
	[sflag:s30] =	ssyncadd.s32 $0xFFFFFFB0  }
0x6d: {  	[tilespmem:s23], [sflag:$0x3] =	stream.linear.gather [hbm4b:s7+s3], $0x50, $0x38;
	[tilespmem:$0x780] =	vst v63  }
0x6e: {  	_ =	swait.ge [sflag:s24], $0x50  }
0x6f: {  	[sflag:s24] =	ssyncset.done $0x0  }
0x70: {  	[sflag:s24] =	ssyncadd.s32 $0xFFFFFFB0  }
0x71: {  	[spmem:s1] =	stream.indirect.scatter.add.f32 [tilespmem:s26], [sflag:$0x5], $0x1, s3, s25, $0xb8;
	[tilespmem:$0x780] =	vst v63  }
0x72: {  	_ =	swait.ge [sflag:s0], $0x50  }
0x73: {  	[sflag:s0] =	ssyncset.done $0x0  }
0x74: {  	s8 =	sadd.s32 $0x0, s18;
	[sflag:s0] =	ssyncadd.s32 $0xFFFFFFB0  }
0x75: {  	[tilespmem:s28], [sflag:$0x4] =	stream.linear.gather [hbm4b:s8+s3], $0x50, $0x38;
	[tilespmem:$0x780] =	vst v63  }
0x76: {  	_ =	swait.ge [sflag:s29], $0x50  }
0x77: {  	[sflag:s29] =	ssyncset.done $0x0  }
0x78: {  	[sflag:s29] =	ssyncadd.s32 $0xFFFFFFB0  }
0x79: {  	[spmem:s1] =	stream.indirect.scatter.add.f32 [tilespmem:s26], [sflag:$0x6], $0x1, s22, s25, $0xb8;
	[tilespmem:$0x780] =	vst v63  }
0x7a: {  	_ =	swait.ge [sflag:s30], $0x50  }
0x7b: {  	[sflag:s30] =	ssyncset.done $0x0  }
0x7c: {  	s7 =	sadd.s32 $0x0, s16;
	[sflag:s30] =	ssyncadd.s32 $0xFFFFFFB0  }
0x7d: {  	[tilespmem:s3], [sflag:$0x1] =	stream.linear.gather [hbm4b:s7+s3], $0x50, $0x38;
	[tilespmem:$0x780] =	vst v63  }
0x7e: {  	_ =	swait.ge [sflag:s31], $0x50  }
0x7f: {  	[sflag:s31] =	ssyncset.done $0x0  }
0x80: {  	[sflag:s31] =	ssyncadd.s32 $0xFFFFFFB0  }
0x81: {  	[spmem:s1] =	stream.indirect.scatter.add.f32 [tilespmem:s26], [sflag:$0x5], $0x1, s23, s25, $0xb8;
	[tilespmem:$0x780] =	vst v63  }
0x82: {  	_ =	swait.ge [sflag:s0], $0x50  }
0x83: {  	[sflag:s0] =	ssyncset.done $0x0  }
0x84: {  	s8 =	sadd.s32 $0x0, s17;
	[sflag:s0] =	ssyncadd.s32 $0xFFFFFFB0  }
0x85: {  	[tilespmem:s22], [sflag:$0x2] =	stream.linear.gather [hbm4b:s8+s3], $0x50, $0x38;
	[tilespmem:$0x780] =	vst v63  }
0x86: {  	_ =	swait.ge [sflag:s2], $0x50  }
0x87: {  	[sflag:s2] =	ssyncset.done $0x0  }
0x88: {  	s6 =	simm.s32 $0x28;
	[sflag:s2] =	ssyncadd.s32 $0xFFFFFFB0  }
.LBB2_2:
0x89: {  	[spmem:s1] =	stream.indirect.scatter.add.f32 [tilespmem:s26], [sflag:$0x6], $0x1, s28, s25, $0xb8;
	[tilespmem:$0x780] =	vst v63  }
0x8a: {  	s7 =	smov.u32 s6  }
0x8b: {  	p0 =	sne.s32 s6, $0x460;
	s6 =	sadd.s32 $0x28, s6;
	_ =	swait.ge [sflag:s30], $0x50  }
0x8c: {  	[sflag:s30] =	ssyncset.done $0x0  }
0x8d: {  	s8 =	sadd.s32 s7, s19;
	[sflag:s30] =	ssyncadd.s32 $0xFFFFFFB0  }
0x8e: {  	[tilespmem:s23], [sflag:$0x3] =	stream.linear.gather [hbm4b:s8+s3], $0x50, $0x38;
	[tilespmem:$0x780] =	vst v63  }
0x8f: {  	_ =	swait.ge [sflag:s24], $0x50  }
0x90: {  	[sflag:s24] =	ssyncset.done $0x0  }
0x91: {  	[sflag:s24] =	ssyncadd.s32 $0xFFFFFFB0  }
0x92: {  	[spmem:s1] =	stream.indirect.scatter.add.f32 [tilespmem:s26], [sflag:$0x5], $0x1, s3, s25, $0xb8;
	[tilespmem:$0x780] =	vst v63  }
0x93: {  	_ =	swait.ge [sflag:s0], $0x50  }
0x94: {  	[sflag:s0] =	ssyncset.done $0x0  }
0x95: {  	s8 =	sadd.s32 s7, s18;
	[sflag:s0] =	ssyncadd.s32 $0xFFFFFFB0  }
0x96: {  	[tilespmem:s28], [sflag:$0x4] =	stream.linear.gather [hbm4b:s8+s3], $0x50, $0x38;
	[tilespmem:$0x780] =	vst v63  }
0x97: {  	_ =	swait.ge [sflag:s29], $0x50  }
0x98: {  	[sflag:s29] =	ssyncset.done $0x0  }
0x99: {  	[sflag:s29] =	ssyncadd.s32 $0xFFFFFFB0  }
0x9a: {  	[spmem:s1] =	stream.indirect.scatter.add.f32 [tilespmem:s26], [sflag:$0x6], $0x1, s22, s25, $0xb8;
	[tilespmem:$0x780] =	vst v63  }
0x9b: {  	_ =	swait.ge [sflag:s30], $0x50  }
0x9c: {  	[sflag:s30] =	ssyncset.done $0x0  }
0x9d: {  	s8 =	sadd.s32 s7, s16;
	[sflag:s30] =	ssyncadd.s32 $0xFFFFFFB0  }
0x9e: {  	[tilespmem:s3], [sflag:$0x1] =	stream.linear.gather [hbm4b:s8+s3], $0x50, $0x38;
	[tilespmem:$0x780] =	vst v63  }
0x9f: {  	_ =	swait.ge [sflag:s31], $0x50  }
0xa0: {  	[sflag:s31] =	ssyncset.done $0x0  }
0xa1: {  	[sflag:s31] =	ssyncadd.s32 $0xFFFFFFB0  }
0xa2: {  	[spmem:s1] =	stream.indirect.scatter.add.f32 [tilespmem:s26], [sflag:$0x5], $0x1, s23, s25, $0xb8;
	[tilespmem:$0x780] =	vst v63  }
0xa3: {  	_ =	swait.ge [sflag:s0], $0x50  }
0xa4: {  	[sflag:s0] =	ssyncset.done $0x0  }
.Ltmp0:
0xa5: {  	s7 =	sadd.s32 s7, s17;
	[sflag:s0] =	ssyncadd.s32 $0xFFFFFFB0;
	(pc) =	sbr.rel @p0 .LBB2_2-.Ltmp0, $4  }
0xa6: {  	[tilespmem:s22], [sflag:$0x2] =	stream.linear.gather [hbm4b:s7+s3], $0x50, $0x38;
	[tilespmem:$0x780] =	vst v63  }
0xa7: {  	_ =	swait.ge [sflag:s2], $0x50  }
0xa8: {  	[sflag:s2] =	ssyncset.done $0x0  }
0xa9: {  	[sflag:s2] =	ssyncadd.s32 $0xFFFFFFB0  }
0xaa: {  	[spmem:s1] =	stream.indirect.scatter.add.f32 [tilespmem:s26], [sflag:$0x6], $0x1, s28, s25, $0xb8;
	[tilespmem:$0x780] =	vst v63  }
0xab: {  	_ =	swait.ge [sflag:s30], $0x50  }
0xac: {  	[sflag:s30] =	ssyncset.done $0x0  }
0xad: {  	[sflag:s30] =	ssyncadd.s32 $0xFFFFFFB0  }
0xae: {  	[tilespmem:s23], [sflag:$0x3] =	stream.linear.gather [hbm4b:s13+s3], $0x50, $0x38;
	[tilespmem:$0x780] =	vst v63  }
0xaf: {  	_ =	swait.ge [sflag:s24], $0x50  }
0xb0: {  	[sflag:s24] =	ssyncset.done $0x0  }
0xb1: {  	[sflag:s24] =	ssyncadd.s32 $0xFFFFFFB0  }
0xb2: {  	[spmem:s1] =	stream.indirect.scatter.add.f32 [tilespmem:s26], [sflag:$0x5], $0x1, s3, s25, $0xb8;
	[tilespmem:$0x780] =	vst v63  }
0xb3: {  	_ =	swait.ge [sflag:s0], $0x50  }
0xb4: {  	[sflag:s0] =	ssyncset.done $0x0  }
0xb5: {  	[sflag:s0] =	ssyncadd.s32 $0xFFFFFFB0  }
0xb6: {  	[tilespmem:s28], [sflag:$0x4] =	stream.linear.gather [hbm4b:s14+s3], $0x50, $0x38;
	[tilespmem:$0x780] =	vst v63  }
0xb7: {  	_ =	swait.ge [sflag:s29], $0x50  }
0xb8: {  	[sflag:s29] =	ssyncset.done $0x0  }
0xb9: {  	[sflag:s29] =	ssyncadd.s32 $0xFFFFFFB0  }
0xba: {  	[spmem:s1] =	stream.indirect.scatter.add.f32 [tilespmem:s26], [sflag:$0x6], $0x1, s22, s25, $0xb8;
	[tilespmem:$0x780] =	vst v63  }
0xbb: {  	_ =	swait.ge [sflag:s30], $0x50  }
0xbc: {  	[sflag:s30] =	ssyncset.done $0x0  }
0xbd: {  	[sflag:s30] =	ssyncadd.s32 $0xFFFFFFB0  }
0xbe: {  	[tilespmem:s3], [sflag:$0x1] =	stream.linear.gather [hbm4b:s15+s3], $0x50, $0x38;
	[tilespmem:$0x780] =	vst v63  }
0xbf: {  	_ =	swait.ge [sflag:s31], $0x50  }
0xc0: {  	[sflag:s31] =	ssyncset.done $0x0  }
0xc1: {  	[sflag:s31] =	ssyncadd.s32 $0xFFFFFFB0  }
0xc2: {  	[spmem:s1] =	stream.indirect.scatter.add.f32 [tilespmem:s26], [sflag:$0x5], $0x1, s23, s25, $0xb8;
	[tilespmem:$0x780] =	vst v63  }
0xc3: {  	_ =	swait.ge [sflag:s0], $0x50  }
0xc4: {  	[sflag:s0] =	ssyncset.done $0x0  }
0xc5: {  	[sflag:s0] =	ssyncadd.s32 $0xFFFFFFB0  }
0xc6: {  	_ =	swait.ge [sflag:s2], $0x50  }
0xc7: {  	[sflag:s2] =	ssyncset.done $0x0  }
0xc8: {  	[sflag:s2] =	ssyncadd.s32 $0xFFFFFFB0  }
0xc9: {  	[spmem:s1] =	stream.indirect.scatter.add.f32 [tilespmem:s26], [sflag:$0x6], $0x1, s28, s25, $0xb8;
	[tilespmem:$0x780] =	vst v63  }
0xca: {  	_ =	swait.ge [sflag:s30], $0x50  }
0xcb: {  	[sflag:s30] =	ssyncset.done $0x0  }
0xcc: {  	[sflag:s30] =	ssyncadd.s32 $0xFFFFFFB0  }
0xcd: {  	_ =	swait.ge [sflag:s24], $0x50  }
0xce: {  	[sflag:s24] =	ssyncset.done $0x0  }
0xcf: {  	[sflag:s24] =	ssyncadd.s32 $0xFFFFFFB0  }
0xd0: {  	[spmem:s1] =	stream.indirect.scatter.add.f32 [tilespmem:s26], [sflag:$0x5], $0x1, s3, s25, $0xb8;
	[tilespmem:$0x780] =	vst v63  }
0xd1: {  	_ =	swait.ge [sflag:s30], $0x50  }
0xd2: {  	[sflag:s30] =	ssyncset.done $0x0  }
0xd3: {  	[sflag:s30] =	ssyncadd.s32 $0xFFFFFFB0  }
0xd4: {  	_ =	swait.ge [sflag:s0], $0x50  }
0xd5: {  	[sflag:s0] =	ssyncset.done $0x0  }
0xd6: {  	s6 =	stileid.u32;
	[sflag:s0] =	ssyncadd.s32 $0xFFFFFFB0  }
0xd7: {  	s6 =	sshll.u32 s6, $0x6;
	[bflag:$0x0] =	sbarrier.arrive $0xFFFF  }
0xd8: {  	s7 =	sshrl.u32 s4, $0x3;
	s6 =	sor.u32 $0x1C07, s6;
	s8 =	rddreg [dreg:$0x4]  }
0xd9: {  	[hbm:s8@s9], [sflag:s6] =	dma.strided [spmem:s7@s10], $0x50, s24, $0x10   }
0xda: {  	_ =	swait.ge [sflag:s21], $0x50  }
0xdb: {  	s20 =	sadd.s32 $0x1, s20;
	s8 =	rddreg [dreg:$0x5]  }
0xdc: {  	p0 =	sne.s32 s20, s8  }
.Ltmp1:
0xdd: {  	_ = 	snop;
	(pc) =	sbr.rel @p0 .LBB2_1-.Ltmp1, $3  }
0xde: {  	_ =	sdelay $0x1  }
0xdf: {  	[sflag:s21] =	ssyncset.done $0x0  }
0xe0: {  	[sflag:s21] =	ssyncadd.s32 $0xFFFFFFB0  }
0xe1: {  	_ =	sfence.sel $0x180000  }
0xe2: {  	[bflag:$0x0] =	sbarrier.arrive $0xFFFF  }
0xe3: {  	_ =	strace $0x90000047  }
0xe4: {  	s0 =	stileid.u32;
	[bflag:$0x2] =	sbarrier.arrive $0xFFFF  }
0xe5: {  	p0 =	sne.s32 s0, $0x0;
	s0 =	rddreg [dreg:$0x2]  }
0xe6: {  	s0 =	sadd.s32 @!p0 $0x100000, s0  }
0xe7: {  	[sflag:s0] =	ssyncadd.tile.s32 @!p0 $0x1;
	_ =	shalt  }
.Lfunc_end2:
_tile_overlayer_lowered:
.L_overlay_start_2:
0xe8: {  	(tag) =	ssettag $0x2  }
0xe9: {  	s0 =	rddreg [dreg:$0x0];
	s2 =	stileid.u32  }
0xea: {  	s1 =	rddreg [dreg:$0x1];
	p0 =	sne.s32 s2, $0x0  }
0xeb: {  	s3 =	rddreg [dreg:$0x2];
	[bflag:$0x3] =	sbarrier.arrive $0xFFFF;
	s2 =	simm.s32 @!p0 $0x1C07  }
0xec: {  	[timem:s3], [sflag:s2] =	dma.local @!p0 [hbm:s0], s1  }
0xed: {  	s0 =	simm.s32 @!p0 $0x7  }
0xee: {  	_ =	swait.ge @!p0 [sflag:s0], s1  }
0xef: {  	s1 =	ssub.s32 @!p0 $0x0, s1;
	[sflag:s0] =	ssyncset.done @!p0 $0x0  }
0xf0: {  	[sflag:s0] =	ssyncadd.s32 @!p0 s1  }
0xf1: {  	[bflag:$0x3] =	sbarrier.arrive $0xFFFF  }
0xf2: {  	_ =	shalt  }

</sc_bundles>
